<compile_context>
chip_gen: v7x
topology: tpu7x:2x2x1
jax: 0.10.2.dev20260603
libtpu: 0.0.44.dev20260713+nightly
codegen_flags: <defaults>
</compile_context>

<pallas_src>
import jax
import jax.numpy as jnp
from jax import lax
from jax.experimental import pallas as pl
from jax.experimental.pallas import tpu as pltpu
from jax.experimental.pallas import tpu_sc as plsc

_N = 10000
_E = 160000
_D = 256
_DH = 128
_NC = 2
_NS = 16
_RPT = _N // _NS

_ED_T = _E // (_NC * _NS)
_KD = 40
_NBD = _ED_T // _KD
_KS = 80
_NBS = 125
_ES_T = _KS * _NBS
_NACC = _N

_BN = 1000
_GRID = _N // _BN


def _mesh():
    return plsc.VectorSubcoreMesh(core_axis_name="c", subcore_axis_name="s")


_SC_PARAMS = pltpu.CompilerParams(use_tc_tiling_on_sc=False)


def _deg_body(dst_hbm, out_hbm, idx_v, ones_v, zb_v, acc_sh):
    c = lax.axis_index("c")
    s = lax.axis_index("s")
    wid = c * _NS + s

    def fill_ones(i, _):
        ones_v[i, :] = jnp.ones((16,), jnp.float32)
        return 0

    lax.fori_loop(0, _KD, fill_ones, 0)

    def fill_zb(i, _):
        zb_v[i, :] = jnp.zeros((16,), jnp.float32)
        return 0

    lax.fori_loop(0, _RPT, fill_zb, 0)

    pltpu.sync_copy(zb_v, acc_sh.at[pl.ds(s * _RPT, _RPT)])
    pltpu.sync_copy(dst_hbm.at[wid], idx_v)
    plsc.subcore_barrier()

    def body(b, _):
        pltpu.sync_copy(ones_v, acc_sh.at[idx_v.at[b]], add=True)
        return 0

    lax.fori_loop(0, _NBD, body, 0)
    plsc.subcore_barrier()

    pltpu.sync_copy(
        acc_sh.at[pl.ds(s * _RPT, _RPT)],
        out_hbm.at[c, pl.ds(s * _RPT, _RPT)],
    )


def _deg(dst_d):
    call = pl.kernel(
        _deg_body,
        out_type=jax.ShapeDtypeStruct((_NC, _N, 16), jnp.float32),
        mesh=_mesh(),
        scratch_types=[
            pltpu.VMEM((_NBD, _KD), jnp.int32),
            pltpu.VMEM((_KD, 16), jnp.float32),
            pltpu.VMEM((_RPT, 16), jnp.float32),
            pltpu.VMEM_SHARED((_N, 16), jnp.float32),
        ],
        compiler_params=_SC_PARAMS,
    )
    return call(dst_d)


def _scat_body(tbl_hbm, src_hbm, dst_hbm, out_hbm, isrc, idst, rbuf0, rbuf1, rbuf2, acc_sh, semg0, semg1, semg2):
    c = lax.axis_index("c")
    s = lax.axis_index("s")

    coff = c * _N

    pltpu.sync_copy(
        tbl_hbm.at[pl.ds(coff + s * _RPT, _RPT)],
        acc_sh.at[pl.ds(s * _RPT, _RPT)],
    )

    pltpu.sync_copy(src_hbm.at[s], isrc)
    pltpu.sync_copy(dst_hbm.at[s], idst)

    def off(i, _):
        def off2(j, _):
            isrc[i, pl.ds(j * 16, 16)] = isrc[i, pl.ds(j * 16, 16)] + coff
            return 0

        return lax.fori_loop(0, _KS // 16, off2, 0)

    lax.fori_loop(0, _NBS, off, 0)
    plsc.subcore_barrier()

    pltpu.async_copy(tbl_hbm.at[isrc.at[0]], rbuf0, semg0)
    pltpu.async_copy(tbl_hbm.at[isrc.at[1]], rbuf1, semg1)

    def trip(i, _):
        b = 3 * i
        pltpu.make_async_copy(tbl_hbm.at[isrc.at[b]], rbuf0, semg0).wait()
        pltpu.async_copy(tbl_hbm.at[isrc.at[b + 2]], rbuf2, semg2)
        pltpu.sync_copy(rbuf0, acc_sh.at[idst.at[b]], add=True)
        pltpu.make_async_copy(tbl_hbm.at[isrc.at[b + 1]], rbuf1, semg1).wait()
        pltpu.async_copy(tbl_hbm.at[isrc.at[b + 3]], rbuf0, semg0)
        pltpu.sync_copy(rbuf1, acc_sh.at[idst.at[b + 1]], add=True)
        pltpu.make_async_copy(tbl_hbm.at[isrc.at[b + 2]], rbuf2, semg2).wait()
        pltpu.async_copy(tbl_hbm.at[isrc.at[b + 4]], rbuf1, semg1)
        pltpu.sync_copy(rbuf2, acc_sh.at[idst.at[b + 2]], add=True)
        return 0

    lax.fori_loop(0, (_NBS - 2) // 3, trip, 0)
    pltpu.make_async_copy(tbl_hbm.at[isrc.at[_NBS - 2]], rbuf0, semg0).wait()
    pltpu.sync_copy(rbuf0, acc_sh.at[idst.at[_NBS - 2]], add=True)
    pltpu.make_async_copy(tbl_hbm.at[isrc.at[_NBS - 1]], rbuf1, semg1).wait()
    pltpu.sync_copy(rbuf1, acc_sh.at[idst.at[_NBS - 1]], add=True)
    plsc.subcore_barrier()

    pltpu.sync_copy(
        acc_sh.at[pl.ds(s * _RPT, _RPT)],
        out_hbm.at[c, pl.ds(s * _RPT, _RPT)],
    )


def _scat(tbl, src_r, dst_r):
    call = pl.kernel(
        _scat_body,
        out_type=jax.ShapeDtypeStruct((_NC, _N, _DH), jnp.float32),
        mesh=_mesh(),
        scratch_types=[
            pltpu.VMEM((_NBS, _KS), jnp.int32),
            pltpu.VMEM((_NBS, _KS), jnp.int32),
            pltpu.VMEM((_KS, _DH), jnp.float32),
            pltpu.VMEM((_KS, _DH), jnp.float32),
            pltpu.VMEM((_KS, _DH), jnp.float32),
            pltpu.VMEM_SHARED((_NACC, _DH), jnp.float32),
            pltpu.SemaphoreType.DMA,
            pltpu.SemaphoreType.DMA,
            pltpu.SemaphoreType.DMA,
        ],
        compiler_params=_SC_PARAMS,
    )
    return call(tbl, src_r, dst_r)


def _dis_of(dp_ref):
    deg = 1.0 + dp_ref[0, :, 0] + dp_ref[1, :, 0]
    return lax.rsqrt(deg)[:, None]


def _k1a_body(x_ref, w_ref, o_ref):
    o_ref[...] = jnp.dot(x_ref[...], w_ref[...], preferred_element_type=jnp.float32)


def _k1a(x, W1):
    return pl.pallas_call(
        _k1a_body,
        grid=(_GRID,),
        in_specs=[
            pl.BlockSpec((_BN, _D), lambda i: (i, 0)),
            pl.BlockSpec((_D, _D), lambda i: (0, 0)),
        ],
        out_specs=pl.BlockSpec((_BN, _D), lambda i: (i, 0)),
        out_shape=jax.ShapeDtypeStruct((_N, _D), jnp.float32),
    )(x, W1)


def _k1b_body(h_ref, dp_ref, o_ref):
    hp = h_ref[...] * _dis_of(dp_ref)
    o_ref[0] = hp[:, :_DH]
    o_ref[1] = hp[:, _DH:]


def _k1b(h, dp):
    return pl.pallas_call(
        _k1b_body,
        grid=(_GRID,),
        in_specs=[
            pl.BlockSpec((_BN, _D), lambda i: (i, 0)),
            pl.BlockSpec((_NC, _BN, 16), lambda i: (0, i, 0)),
        ],
        out_specs=pl.BlockSpec((_NC, _BN, _DH), lambda i: (0, i, 0)),
        out_shape=jax.ShapeDtypeStruct((_NC, _N, _DH), jnp.float32),
    )(h, dp)


def _k2_body(s_ref, dp_ref, b_ref, w_ref, o_ref):
    dis = _dis_of(dp_ref)
    ssum = jnp.concatenate([s_ref[0], s_ref[1]], axis=1)
    z = jnp.maximum(ssum * dis + b_ref[...], 0.0)
    h = jnp.dot(z, w_ref[...], preferred_element_type=jnp.float32)
    hp = h * dis
    o_ref[0] = hp[:, :_DH]
    o_ref[1] = hp[:, _DH:]


def _k2(s1, dp, b1, W2):
    return pl.pallas_call(
        _k2_body,
        grid=(_GRID,),
        in_specs=[
            pl.BlockSpec((_NC, _BN, _DH), lambda i: (0, i, 0)),
            pl.BlockSpec((_NC, _BN, 16), lambda i: (0, i, 0)),
            pl.BlockSpec((1, _D), lambda i: (0, 0)),
            pl.BlockSpec((_D, _D), lambda i: (0, 0)),
        ],
        out_specs=pl.BlockSpec((_NC, _BN, _DH), lambda i: (0, i, 0)),
        out_shape=jax.ShapeDtypeStruct((_NC, _N, _DH), jnp.float32),
    )(s1, dp, b1, W2)


def _k3_body(s_ref, dp_ref, b_ref, o_ref):
    dis = _dis_of(dp_ref)
    ssum = jnp.concatenate([s_ref[0], s_ref[1]], axis=1)
    o_ref[...] = ssum * dis + b_ref[...]


def _k3(s2, dp, b2):
    return pl.pallas_call(
        _k3_body,
        grid=(_GRID,),
        in_specs=[
            pl.BlockSpec((_NC, _BN, _DH), lambda i: (0, i, 0)),
            pl.BlockSpec((_NC, _BN, 16), lambda i: (0, i, 0)),
            pl.BlockSpec((1, _D), lambda i: (0, 0)),
        ],
        out_specs=pl.BlockSpec((_BN, _D), lambda i: (i, 0)),
        out_shape=jax.ShapeDtypeStruct((_N, _D), jnp.float32),
    )(s2, dp, b2)


def kernel(x, edge_index, W1, b1, W2, b2):
    src = edge_index[0]
    dst = edge_index[1]
    src_r = src.reshape(_NS, _NBS, _KS)
    dst_r = dst.reshape(_NS, _NBS, _KS)
    dst_d = dst.reshape(_NC * _NS, _NBD, _KD)

    h1 = _k1a(x, W1)
    degp = _deg(dst_d)
    h1p = _k1b(h1, degp)
    s1 = _scat(h1p.reshape(_NC * _N, _DH), src_r, dst_r)
    h2p = _k2(s1, degp, b1.reshape(1, _D), W2)
    s2 = _scat(h2p.reshape(_NC * _N, _DH), src_r, dst_r)
    return _k3(s2, degp, b2.reshape(1, _D))

# --- scband reference (transcript-rebuilt; emitter-appended) ---
"""Pipeline reference for scband-gnnmodel-86397562126518 (READ-ONLY COPY).

The authoritative reference and input builder live on the scoring server;
editing this copy changes nothing except your own understanding.
"""

import jax, jax.numpy as jnp
import numpy as np

N = 10000
E = 160000
D_IN = 256
D_H = 256
D_OUT = 256


def setup_inputs(seed: int = 0) -> dict:
    key = jax.random.key(seed)
    ks = jax.random.split(key, 8)
    x = jax.random.normal(ks[0], (N, D_IN), dtype=jnp.float32)
    edge_index = jax.random.randint(ks[1], (2, E), 0, N, dtype=jnp.int32)
    W1 = jax.random.normal(ks[2], (D_IN, D_H), dtype=jnp.float32) * (1.0 / np.sqrt(D_IN))
    b1 = jnp.zeros((D_H,), dtype=jnp.float32)
    W2 = jax.random.normal(ks[3], (D_H, D_OUT), dtype=jnp.float32) * (1.0 / np.sqrt(D_H))
    b2 = jnp.zeros((D_OUT,), dtype=jnp.float32)
    return {"x": x, "edge_index": edge_index, "W1": W1, "b1": b1, "W2": W2, "b2": b2}


def _gcn_conv(x, edge_index, W, b):
    # Faithful to torch_geometric GCNConv (normalize=True, add_self_loops=True):
    # x' = D^{-1/2} (A + I) D^{-1/2} X W + b
    n = x.shape[0]
    loop = jnp.arange(n, dtype=edge_index.dtype)
    src = jnp.concatenate([edge_index[0], loop])
    dst = jnp.concatenate([edge_index[1], loop])
    ones = jnp.ones(src.shape[0], dtype=x.dtype)
    deg = jnp.zeros((n,), dtype=x.dtype).at[dst].add(ones)
    deg_inv_sqrt = jnp.where(deg > 0, jax.lax.rsqrt(jnp.maximum(deg, 1e-12)), 0.0)
    norm = deg_inv_sqrt[src] * deg_inv_sqrt[dst]
    h = x @ W
    msg = h[src] * norm[:, None]
    out = jnp.zeros((n, W.shape[1]), dtype=x.dtype).at[dst].add(msg)
    return out + b


def reference(x, edge_index, W1, b1, W2, b2):
    # layer 1: GCNConv -> ReLU -> Dropout (eval: identity)
    h = _gcn_conv(x, edge_index, W1, b1)
    h = jax.nn.relu(h)
    # layer 2: GCNConv (output layer)
    out = _gcn_conv(h, edge_index, W2, b2)
    return out

if __name__ == "__main__":
    import jax
    _d = setup_inputs()
    print(jax.jit(kernel)(*tuple(_d.values())))

</pallas_src>

<mosaic_0001>
#map = affine_map<(d0, d1) -> (0, 0)>
#map1 = affine_map<(d0, d1) -> (0, 0, 0)>
module attributes {stable_mosaic.version = 14 : i64} {
  func.func @_scat_body(%arg0: i32, %arg1: i32, %arg2: memref<20000x128xf32, #tpu.memory_space<hbm>>, %arg3: memref<16x125x80xi32, #tpu.memory_space<hbm>>, %arg4: memref<16x125x80xi32, #tpu.memory_space<hbm>>, %arg5: memref<2x10000x128xf32, #tpu.memory_space<hbm>>, %arg6: memref<125x80xi32, #tpu.memory_space<vmem>>, %arg7: memref<125x80xi32, #tpu.memory_space<vmem>>, %arg8: memref<80x128xf32, #tpu.memory_space<vmem>>, %arg9: memref<80x128xf32, #tpu.memory_space<vmem>>, %arg10: memref<80x128xf32, #tpu.memory_space<vmem>>, %arg11: memref<10000x128xf32, #tpu.memory_space<vmem_shared>>, %arg12: memref<!tpu.dma_semaphore, #tpu.memory_space<semaphore_mem>>, %arg13: memref<!tpu.dma_semaphore, #tpu.memory_space<semaphore_mem>>, %arg14: memref<!tpu.dma_semaphore, #tpu.memory_space<semaphore_mem>>) attributes {dimension_semantics = [#tpu.dimension_semantics<core_parallel>, #tpu.dimension_semantics<subcore_parallel>], iteration_bounds = array<i64: 2, 16>, scalar_prefetch = 0 : i64, scratch_operands = 9 : i64, tpu.core_type = #tpu.core_type<sc_vector_subcore>, window_params = [{transform_indices = #map}, {transform_indices = #map1}, {transform_indices = #map1}, {transform_indices = #map1}]} {
    %mul3A = arith.constant 10000 : i32
    %mul3A_0 = arith.muli %arg0, %mul3A : i32
    %mul3A_1 = arith.constant 625 : i32
    %mul3A_2 = arith.muli %arg1, %mul3A_1 : i32
    %add3A = arith.addi %mul3A_0, %mul3A_2 : i32
    %mul3A_3 = arith.constant 625 : i32
    %mul3A_4 = arith.muli %arg1, %mul3A_3 : i32
    "tpu.region"() ({
      %run_scoped3A_50 = tpu.sem_alloc : memref<!tpu.dma_semaphore, #tpu.memory_space<semaphore_mem>>
      %dma_start3A_51 = arith.constant 0 : i32
      %dma_start3A_52 = tpu.memref_slice %arg11[%mul3A_4, %dma_start3A_51] : memref<10000x128xf32, #tpu.memory_space<vmem_shared>> -> memref<625x128xf32, #tpu.memory_space<vmem_shared>>
      %dma_start3A_53 = arith.constant 0 : i32
      %dma_start3A_54 = tpu.memref_slice %arg2[%add3A, %dma_start3A_53] : memref<20000x128xf32, #tpu.memory_space<hbm>> -> memref<625x128xf32, #tpu.memory_space<hbm>>
      tpu.enqueue_dma source(%dma_start3A_54 : memref<625x128xf32, #tpu.memory_space<hbm>>) target(%dma_start3A_52 : memref<625x128xf32, #tpu.memory_space<vmem_shared>>) target_semaphore(%run_scoped3A_50 : memref<!tpu.dma_semaphore, #tpu.memory_space<semaphore_mem>>)
      %dma_wait3A_55 = arith.constant 0 : i32
      %dma_wait3A_56 = tpu.memref_slice %arg11[%mul3A_4, %dma_wait3A_55] : memref<10000x128xf32, #tpu.memory_space<vmem_shared>> -> memref<625x128xf32, #tpu.memory_space<vmem_shared>>
      %dma_wait3A_57 = arith.constant 0 : i32
      %dma_wait3A_58 = tpu.memref_slice %arg2[%add3A, %dma_wait3A_57] : memref<20000x128xf32, #tpu.memory_space<hbm>> -> memref<625x128xf32, #tpu.memory_space<hbm>>
      tpu.wait_dma2 semaphore(%run_scoped3A_50 : memref<!tpu.dma_semaphore, #tpu.memory_space<semaphore_mem>>) src(%dma_wait3A_58 : memref<625x128xf32, #tpu.memory_space<hbm>>) dst(%dma_wait3A_56 : memref<625x128xf32, #tpu.memory_space<vmem_shared>>)
      tpu.yield
    }) : () -> ()
    "tpu.region"() ({
      %run_scoped3A_50 = tpu.sem_alloc : memref<!tpu.dma_semaphore, #tpu.memory_space<semaphore_mem>>
      %dma_start3A_51 = arith.constant 0 : i32
      %dma_start3A_52 = arith.constant 0 : i32
      %dma_start3A_53 = tpu.memref_slice %arg3[%arg1, %dma_start3A_51, %dma_start3A_52] : memref<16x125x80xi32, #tpu.memory_space<hbm>> -> memref<1x125x80xi32, #tpu.memory_space<hbm>>
      %dma_start3A_54 = tpu.memref_squeeze %dma_start3A_53 : memref<1x125x80xi32, #tpu.memory_space<hbm>> -> memref<125x80xi32, #tpu.memory_space<hbm>>
      %dma_start3A_55 = arith.constant 0 : i32
      %dma_start3A_56 = arith.constant 0 : i32
      %dma_start3A_57 = tpu.memref_slice %arg3[%arg1, %dma_start3A_55, %dma_start3A_56] : memref<16x125x80xi32, #tpu.memory_space<hbm>> -> memref<1x125x80xi32, #tpu.memory_space<hbm>>
      %dma_start3A_58 = tpu.memref_squeeze %dma_start3A_57 : memref<1x125x80xi32, #tpu.memory_space<hbm>> -> memref<125x80xi32, #tpu.memory_space<hbm>>
      tpu.enqueue_dma source(%dma_start3A_58 : memref<125x80xi32, #tpu.memory_space<hbm>>) target(%arg6 : memref<125x80xi32, #tpu.memory_space<vmem>>) target_semaphore(%run_scoped3A_50 : memref<!tpu.dma_semaphore, #tpu.memory_space<semaphore_mem>>)
      %dma_wait3A_59 = arith.constant 0 : i32
      %dma_wait3A_60 = arith.constant 0 : i32
      %dma_wait3A_61 = tpu.memref_slice %arg3[%arg1, %dma_wait3A_59, %dma_wait3A_60] : memref<16x125x80xi32, #tpu.memory_space<hbm>> -> memref<1x125x80xi32, #tpu.memory_space<hbm>>
      %dma_wait3A_62 = tpu.memref_squeeze %dma_wait3A_61 : memref<1x125x80xi32, #tpu.memory_space<hbm>> -> memref<125x80xi32, #tpu.memory_space<hbm>>
      %dma_wait3A_63 = arith.constant 0 : i32
      %dma_wait3A_64 = arith.constant 0 : i32
      %dma_wait3A_65 = tpu.memref_slice %arg3[%arg1, %dma_wait3A_63, %dma_wait3A_64] : memref<16x125x80xi32, #tpu.memory_space<hbm>> -> memref<1x125x80xi32, #tpu.memory_space<hbm>>
      %dma_wait3A_66 = tpu.memref_squeeze %dma_wait3A_65 : memref<1x125x80xi32, #tpu.memory_space<hbm>> -> memref<125x80xi32, #tpu.memory_space<hbm>>
      tpu.wait_dma2 semaphore(%run_scoped3A_50 : memref<!tpu.dma_semaphore, #tpu.memory_space<semaphore_mem>>) src(%dma_wait3A_66 : memref<125x80xi32, #tpu.memory_space<hbm>>) dst(%arg6 : memref<125x80xi32, #tpu.memory_space<vmem>>)
      tpu.yield
    }) : () -> ()
    "tpu.region"() ({
      %run_scoped3A_50 = tpu.sem_alloc : memref<!tpu.dma_semaphore, #tpu.memory_space<semaphore_mem>>
      %dma_start3A_51 = arith.constant 0 : i32
      %dma_start3A_52 = arith.constant 0 : i32
      %dma_start3A_53 = tpu.memref_slice %arg4[%arg1, %dma_start3A_51, %dma_start3A_52] : memref<16x125x80xi32, #tpu.memory_space<hbm>> -> memref<1x125x80xi32, #tpu.memory_space<hbm>>
      %dma_start3A_54 = tpu.memref_squeeze %dma_start3A_53 : memref<1x125x80xi32, #tpu.memory_space<hbm>> -> memref<125x80xi32, #tpu.memory_space<hbm>>
      %dma_start3A_55 = arith.constant 0 : i32
      %dma_start3A_56 = arith.constant 0 : i32
      %dma_start3A_57 = tpu.memref_slice %arg4[%arg1, %dma_start3A_55, %dma_start3A_56] : memref<16x125x80xi32, #tpu.memory_space<hbm>> -> memref<1x125x80xi32, #tpu.memory_space<hbm>>
      %dma_start3A_58 = tpu.memref_squeeze %dma_start3A_57 : memref<1x125x80xi32, #tpu.memory_space<hbm>> -> memref<125x80xi32, #tpu.memory_space<hbm>>
      tpu.enqueue_dma source(%dma_start3A_58 : memref<125x80xi32, #tpu.memory_space<hbm>>) target(%arg7 : memref<125x80xi32, #tpu.memory_space<vmem>>) target_semaphore(%run_scoped3A_50 : memref<!tpu.dma_semaphore, #tpu.memory_space<semaphore_mem>>)
      %dma_wait3A_59 = arith.constant 0 : i32
      %dma_wait3A_60 = arith.constant 0 : i32
      %dma_wait3A_61 = tpu.memref_slice %arg4[%arg1, %dma_wait3A_59, %dma_wait3A_60] : memref<16x125x80xi32, #tpu.memory_space<hbm>> -> memref<1x125x80xi32, #tpu.memory_space<hbm>>
      %dma_wait3A_62 = tpu.memref_squeeze %dma_wait3A_61 : memref<1x125x80xi32, #tpu.memory_space<hbm>> -> memref<125x80xi32, #tpu.memory_space<hbm>>
      %dma_wait3A_63 = arith.constant 0 : i32
      %dma_wait3A_64 = arith.constant 0 : i32
      %dma_wait3A_65 = tpu.memref_slice %arg4[%arg1, %dma_wait3A_63, %dma_wait3A_64] : memref<16x125x80xi32, #tpu.memory_space<hbm>> -> memref<1x125x80xi32, #tpu.memory_space<hbm>>
      %dma_wait3A_66 = tpu.memref_squeeze %dma_wait3A_65 : memref<1x125x80xi32, #tpu.memory_space<hbm>> -> memref<125x80xi32, #tpu.memory_space<hbm>>
      tpu.wait_dma2 semaphore(%run_scoped3A_50 : memref<!tpu.dma_semaphore, #tpu.memory_space<semaphore_mem>>) src(%dma_wait3A_66 : memref<125x80xi32, #tpu.memory_space<hbm>>) dst(%arg7 : memref<125x80xi32, #tpu.memory_space<vmem>>)
      tpu.yield
    }) : () -> ()
    %scan3A = arith.constant 0 : i32
    %scan3A_5 = arith.constant 0 : i32
    %scan3A_6 = arith.constant 125 : i32
    %scan3A_7 = arith.addi %scan3A_5, %scan3A_6 : i32
    %scan3A_8 = arith.constant 1 : i32
    %scan3A_9 = scf.for %scan3A_50 = %scan3A_5 to %scan3A_7 step %scan3A_8 iter_args(%scan3A_51 = %scan3A) -> (i32)  : i32 {
      %scan3A_52 = arith.constant 0 : i32
      %scan3A_53 = arith.constant 0 : i32
      %scan3A_54 = arith.constant 5 : i32
      %scan3A_55 = arith.addi %scan3A_53, %scan3A_54 : i32
      %scan3A_56 = arith.constant 1 : i32
      %scan3A_57 = scf.for %scan3A_59 = %scan3A_53 to %scan3A_55 step %scan3A_56 iter_args(%scan3A_60 = %scan3A_52) -> (i32)  : i32 {
        %mul3A_61 = arith.constant 16 : i32
        %mul3A_62 = arith.muli %scan3A_59, %mul3A_61 : i32
        %get3A = arith.index_cast %scan3A_50 : i32 to index
        %get3A_63 = arith.index_cast %mul3A_62 : i32 to index
        %get3A_64 = tpu.vector_load %arg6[%get3A, %get3A_63] {strides = array<i32>} : memref<125x80xi32, #tpu.memory_space<vmem>>, vector<1x16xi32>,
        %get3A_65 = vector.shape_cast %get3A_64 : vector<1x16xi32> to vector<16xi32>
        %add3A_66 = vector.broadcast %mul3A_0 : i32 to vector<16xi32>
        %add3A_67 = arith.addi %get3A_65, %add3A_66 : vector<16xi32>
        %mul3A_68 = arith.constant 16 : i32
        %mul3A_69 = arith.muli %scan3A_59, %mul3A_68 : i32
        %swap3A = arith.index_cast %scan3A_50 : i32 to index
        %swap3A_70 = arith.index_cast %mul3A_69 : i32 to index
        %swap3A_71 = tpu.vector_load %arg6[%swap3A, %swap3A_70] {strides = array<i32>} : memref<125x80xi32, #tpu.memory_space<vmem>>, vector<1x16xi32>,
        %swap3A_72 = vector.shape_cast %swap3A_71 : vector<1x16xi32> to vector<16xi32>
        %swap3A_73 = vector.shape_cast %add3A_67 : vector<16xi32> to vector<1x16xi32>
        tpu.vector_store %arg6[%swap3A, %swap3A_70], %swap3A_73 {strides = array<i32>} : memref<125x80xi32, #tpu.memory_space<vmem>>, vector<1x16xi32>,
        %scan3A_74 = arith.constant 0 : i32
        scf.yield %scan3A_74 : i32
      }
      %scan3A_58 = arith.constant 5 : i32
      scf.yield %scan3A_57 : i32
    }
    %scan3A_10 = arith.constant 125 : i32
    %barrier3A = arith.constant 0 : index
    tpu.barrier barrier_id(%barrier3A)
    %dma_start3A = arith.constant 0 : i32
    %dma_start3A_11 = arith.constant 0 : i32
    %dma_start3A_12 = tpu.memref_slice %arg6[%dma_start3A, %dma_start3A_11] : memref<125x80xi32, #tpu.memory_space<vmem>> -> memref<1x80xi32, #tpu.memory_space<vmem>>
    %dma_start3A_13 = tpu.memref_squeeze %dma_start3A_12 : memref<1x80xi32, #tpu.memory_space<vmem>> -> memref<80xi32, #tpu.memory_space<vmem>>
    %dma_start3A_14 = arith.constant 0 : i32
    %dma_start3A_15 = arith.constant 0 : i32
    %dma_start3A_16 = tpu.memref_slice %arg2[%dma_start3A_14, %dma_start3A_15] : memref<20000x128xf32, #tpu.memory_space<hbm>> -> memref<20000x128xf32, #tpu.memory_space<hbm>>
    tpu.enqueue_indirect_dma source(%dma_start3A_16 : memref<20000x128xf32, #tpu.memory_space<hbm>>) target(%arg8 : memref<80x128xf32, #tpu.memory_space<vmem>>) offsets(%dma_start3A_13 : memref<80xi32, #tpu.memory_space<vmem>>) semaphore(%arg12 : memref<!tpu.dma_semaphore, #tpu.memory_space<semaphore_mem>>)
    %dma_start3A_17 = arith.constant 1 : i32
    %dma_start3A_18 = arith.constant 0 : i32
    %dma_start3A_19 = tpu.memref_slice %arg6[%dma_start3A_17, %dma_start3A_18] : memref<125x80xi32, #tpu.memory_space<vmem>> -> memref<1x80xi32, #tpu.memory_space<vmem>>
    %dma_start3A_20 = tpu.memref_squeeze %dma_start3A_19 : memref<1x80xi32, #tpu.memory_space<vmem>> -> memref<80xi32, #tpu.memory_space<vmem>>
    %dma_start3A_21 = arith.constant 0 : i32
    %dma_start3A_22 = arith.constant 0 : i32
    %dma_start3A_23 = tpu.memref_slice %arg2[%dma_start3A_21, %dma_start3A_22] : memref<20000x128xf32, #tpu.memory_space<hbm>> -> memref<20000x128xf32, #tpu.memory_space<hbm>>
    tpu.enqueue_indirect_dma source(%dma_start3A_23 : memref<20000x128xf32, #tpu.memory_space<hbm>>) target(%arg9 : memref<80x128xf32, #tpu.memory_space<vmem>>) offsets(%dma_start3A_20 : memref<80xi32, #tpu.memory_space<vmem>>) semaphore(%arg13 : memref<!tpu.dma_semaphore, #tpu.memory_space<semaphore_mem>>)
    %scan3A_24 = arith.constant 0 : i32
    %scan3A_25 = arith.constant 0 : i32
    %scan3A_26 = arith.constant 41 : i32
    %scan3A_27 = arith.addi %scan3A_25, %scan3A_26 : i32
    %scan3A_28 = arith.constant 1 : i32
    %scan3A_29 = scf.for %scan3A_50 = %scan3A_25 to %scan3A_27 step %scan3A_28 iter_args(%scan3A_51 = %scan3A_24) -> (i32)  : i32 {
      %mul3A_52 = arith.constant 3 : i32
      %mul3A_53 = arith.muli %mul3A_52, %scan3A_50 : i32
      %dma_wait3A_54 = arith.constant 0 : i32
      %dma_wait3A_55 = tpu.memref_slice %arg6[%mul3A_53, %dma_wait3A_54] : memref<125x80xi32, #tpu.memory_space<vmem>> -> memref<1x80xi32, #tpu.memory_space<vmem>>
      %dma_wait3A_56 = tpu.memref_squeeze %dma_wait3A_55 : memref<1x80xi32, #tpu.memory_space<vmem>> -> memref<80xi32, #tpu.memory_space<vmem>>
      %dma_wait3A_57 = arith.constant 0 : i32
      %dma_wait3A_58 = arith.constant 0 : i32
      %dma_wait3A_59 = tpu.memref_slice %arg2[%dma_wait3A_57, %dma_wait3A_58] : memref<20000x128xf32, #tpu.memory_space<hbm>> -> memref<20000x128xf32, #tpu.memory_space<hbm>>
      tpu.wait_indirect_dma semaphore(%arg12 : memref<!tpu.dma_semaphore, #tpu.memory_space<semaphore_mem>>) src(%dma_wait3A_59 : memref<20000x128xf32, #tpu.memory_space<hbm>>) dst(%arg8 : memref<80x128xf32, #tpu.memory_space<vmem>>)
      %add3A_60 = arith.constant 2 : i32
      %add3A_61 = arith.addi %mul3A_53, %add3A_60 : i32
      %dma_start3A_62 = arith.constant 0 : i32
      %dma_start3A_63 = tpu.memref_slice %arg6[%add3A_61, %dma_start3A_62] : memref<125x80xi32, #tpu.memory_space<vmem>> -> memref<1x80xi32, #tpu.memory_space<vmem>>
      %dma_start3A_64 = tpu.memref_squeeze %dma_start3A_63 : memref<1x80xi32, #tpu.memory_space<vmem>> -> memref<80xi32, #tpu.memory_space<vmem>>
      %dma_start3A_65 = arith.constant 0 : i32
      %dma_start3A_66 = arith.constant 0 : i32
      %dma_start3A_67 = tpu.memref_slice %arg2[%dma_start3A_65, %dma_start3A_66] : memref<20000x128xf32, #tpu.memory_space<hbm>> -> memref<20000x128xf32, #tpu.memory_space<hbm>>
      tpu.enqueue_indirect_dma source(%dma_start3A_67 : memref<20000x128xf32, #tpu.memory_space<hbm>>) target(%arg10 : memref<80x128xf32, #tpu.memory_space<vmem>>) offsets(%dma_start3A_64 : memref<80xi32, #tpu.memory_space<vmem>>) semaphore(%arg14 : memref<!tpu.dma_semaphore, #tpu.memory_space<semaphore_mem>>)
      "tpu.region"() ({
        %run_scoped3A_105 = tpu.sem_alloc : memref<!tpu.dma_semaphore, #tpu.memory_space<semaphore_mem>>
        %dma_start3A_106 = arith.constant 0 : i32
        %dma_start3A_107 = tpu.memref_slice %arg7[%mul3A_53, %dma_start3A_106] : memref<125x80xi32, #tpu.memory_space<vmem>> -> memref<1x80xi32, #tpu.memory_space<vmem>>
        %dma_start3A_108 = tpu.memref_squeeze %dma_start3A_107 : memref<1x80xi32, #tpu.memory_space<vmem>> -> memref<80xi32, #tpu.memory_space<vmem>>
        %dma_start3A_109 = arith.constant 0 : i32
        %dma_start3A_110 = arith.constant 0 : i32
        %dma_start3A_111 = tpu.memref_slice %arg11[%dma_start3A_109, %dma_start3A_110] : memref<10000x128xf32, #tpu.memory_space<vmem_shared>> -> memref<10000x128xf32, #tpu.memory_space<vmem_shared>>
        tpu.enqueue_indirect_dma source(%arg8 : memref<80x128xf32, #tpu.memory_space<vmem>>) target(%dma_start3A_111 : memref<10000x128xf32, #tpu.memory_space<vmem_shared>>) offsets(%dma_start3A_108 : memref<80xi32, #tpu.memory_space<vmem>>) semaphore(%run_scoped3A_105 : memref<!tpu.dma_semaphore, #tpu.memory_space<semaphore_mem>>) {add = true}
        %dma_wait3A_112 = arith.constant 0 : i32
        %dma_wait3A_113 = tpu.memref_slice %arg7[%mul3A_53, %dma_wait3A_112] : memref<125x80xi32, #tpu.memory_space<vmem>> -> memref<1x80xi32, #tpu.memory_space<vmem>>
        %dma_wait3A_114 = tpu.memref_squeeze %dma_wait3A_113 : memref<1x80xi32, #tpu.memory_space<vmem>> -> memref<80xi32, #tpu.memory_space<vmem>>
        %dma_wait3A_115 = arith.constant 0 : i32
        %dma_wait3A_116 = arith.constant 0 : i32
        %dma_wait3A_117 = tpu.memref_slice %arg11[%dma_wait3A_115, %dma_wait3A_116] : memref<10000x128xf32, #tpu.memory_space<vmem_shared>> -> memref<10000x128xf32, #tpu.memory_space<vmem_shared>>
        tpu.wait_indirect_dma semaphore(%run_scoped3A_105 : memref<!tpu.dma_semaphore, #tpu.memory_space<semaphore_mem>>) src(%arg8 : memref<80x128xf32, #tpu.memory_space<vmem>>) dst(%dma_wait3A_117 : memref<10000x128xf32, #tpu.memory_space<vmem_shared>>)
        tpu.yield
      }) : () -> ()
      %add3A_68 = arith.constant 1 : i32
      %add3A_69 = arith.addi %mul3A_53, %add3A_68 : i32
      %dma_wait3A_70 = arith.constant 0 : i32
      %dma_wait3A_71 = tpu.memref_slice %arg6[%add3A_69, %dma_wait3A_70] : memref<125x80xi32, #tpu.memory_space<vmem>> -> memref<1x80xi32, #tpu.memory_space<vmem>>
      %dma_wait3A_72 = tpu.memref_squeeze %dma_wait3A_71 : memref<1x80xi32, #tpu.memory_space<vmem>> -> memref<80xi32, #tpu.memory_space<vmem>>
      %dma_wait3A_73 = arith.constant 0 : i32
      %dma_wait3A_74 = arith.constant 0 : i32
      %dma_wait3A_75 = tpu.memref_slice %arg2[%dma_wait3A_73, %dma_wait3A_74] : memref<20000x128xf32, #tpu.memory_space<hbm>> -> memref<20000x128xf32, #tpu.memory_space<hbm>>
      tpu.wait_indirect_dma semaphore(%arg13 : memref<!tpu.dma_semaphore, #tpu.memory_space<semaphore_mem>>) src(%dma_wait3A_75 : memref<20000x128xf32, #tpu.memory_space<hbm>>) dst(%arg9 : memref<80x128xf32, #tpu.memory_space<vmem>>)
      %add3A_76 = arith.constant 3 : i32
      %add3A_77 = arith.addi %mul3A_53, %add3A_76 : i32
      %dma_start3A_78 = arith.constant 0 : i32
      %dma_start3A_79 = tpu.memref_slice %arg6[%add3A_77, %dma_start3A_78] : memref<125x80xi32, #tpu.memory_space<vmem>> -> memref<1x80xi32, #tpu.memory_space<vmem>>
      %dma_start3A_80 = tpu.memref_squeeze %dma_start3A_79 : memref<1x80xi32, #tpu.memory_space<vmem>> -> memref<80xi32, #tpu.memory_space<vmem>>
      %dma_start3A_81 = arith.constant 0 : i32
      %dma_start3A_82 = arith.constant 0 : i32
      %dma_start3A_83 = tpu.memref_slice %arg2[%dma_start3A_81, %dma_start3A_82] : memref<20000x128xf32, #tpu.memory_space<hbm>> -> memref<20000x128xf32, #tpu.memory_space<hbm>>
      tpu.enqueue_indirect_dma source(%dma_start3A_83 : memref<20000x128xf32, #tpu.memory_space<hbm>>) target(%arg8 : memref<80x128xf32, #tpu.memory_space<vmem>>) offsets(%dma_start3A_80 : memref<80xi32, #tpu.memory_space<vmem>>) semaphore(%arg12 : memref<!tpu.dma_semaphore, #tpu.memory_space<semaphore_mem>>)
      %add3A_84 = arith.constant 1 : i32
      %add3A_85 = arith.addi %mul3A_53, %add3A_84 : i32
      "tpu.region"() ({
        %run_scoped3A_105 = tpu.sem_alloc : memref<!tpu.dma_semaphore, #tpu.memory_space<semaphore_mem>>
        %dma_start3A_106 = arith.constant 0 : i32
        %dma_start3A_107 = tpu.memref_slice %arg7[%add3A_85, %dma_start3A_106] : memref<125x80xi32, #tpu.memory_space<vmem>> -> memref<1x80xi32, #tpu.memory_space<vmem>>
        %dma_start3A_108 = tpu.memref_squeeze %dma_start3A_107 : memref<1x80xi32, #tpu.memory_space<vmem>> -> memref<80xi32, #tpu.memory_space<vmem>>
        %dma_start3A_109 = arith.constant 0 : i32
        %dma_start3A_110 = arith.constant 0 : i32
        %dma_start3A_111 = tpu.memref_slice %arg11[%dma_start3A_109, %dma_start3A_110] : memref<10000x128xf32, #tpu.memory_space<vmem_shared>> -> memref<10000x128xf32, #tpu.memory_space<vmem_shared>>
        tpu.enqueue_indirect_dma source(%arg9 : memref<80x128xf32, #tpu.memory_space<vmem>>) target(%dma_start3A_111 : memref<10000x128xf32, #tpu.memory_space<vmem_shared>>) offsets(%dma_start3A_108 : memref<80xi32, #tpu.memory_space<vmem>>) semaphore(%run_scoped3A_105 : memref<!tpu.dma_semaphore, #tpu.memory_space<semaphore_mem>>) {add = true}
        %dma_wait3A_112 = arith.constant 0 : i32
        %dma_wait3A_113 = tpu.memref_slice %arg7[%add3A_85, %dma_wait3A_112] : memref<125x80xi32, #tpu.memory_space<vmem>> -> memref<1x80xi32, #tpu.memory_space<vmem>>
        %dma_wait3A_114 = tpu.memref_squeeze %dma_wait3A_113 : memref<1x80xi32, #tpu.memory_space<vmem>> -> memref<80xi32, #tpu.memory_space<vmem>>
        %dma_wait3A_115 = arith.constant 0 : i32
        %dma_wait3A_116 = arith.constant 0 : i32
        %dma_wait3A_117 = tpu.memref_slice %arg11[%dma_wait3A_115, %dma_wait3A_116] : memref<10000x128xf32, #tpu.memory_space<vmem_shared>> -> memref<10000x128xf32, #tpu.memory_space<vmem_shared>>
        tpu.wait_indirect_dma semaphore(%run_scoped3A_105 : memref<!tpu.dma_semaphore, #tpu.memory_space<semaphore_mem>>) src(%arg9 : memref<80x128xf32, #tpu.memory_space<vmem>>) dst(%dma_wait3A_117 : memref<10000x128xf32, #tpu.memory_space<vmem_shared>>)
        tpu.yield
      }) : () -> ()
      %add3A_86 = arith.constant 2 : i32
      %add3A_87 = arith.addi %mul3A_53, %add3A_86 : i32
      %dma_wait3A_88 = arith.constant 0 : i32
      %dma_wait3A_89 = tpu.memref_slice %arg6[%add3A_87, %dma_wait3A_88] : memref<125x80xi32, #tpu.memory_space<vmem>> -> memref<1x80xi32, #tpu.memory_space<vmem>>
      %dma_wait3A_90 = tpu.memref_squeeze %dma_wait3A_89 : memref<1x80xi32, #tpu.memory_space<vmem>> -> memref<80xi32, #tpu.memory_space<vmem>>
      %dma_wait3A_91 = arith.constant 0 : i32
      %dma_wait3A_92 = arith.constant 0 : i32
      %dma_wait3A_93 = tpu.memref_slice %arg2[%dma_wait3A_91, %dma_wait3A_92] : memref<20000x128xf32, #tpu.memory_space<hbm>> -> memref<20000x128xf32, #tpu.memory_space<hbm>>
      tpu.wait_indirect_dma semaphore(%arg14 : memref<!tpu.dma_semaphore, #tpu.memory_space<semaphore_mem>>) src(%dma_wait3A_93 : memref<20000x128xf32, #tpu.memory_space<hbm>>) dst(%arg10 : memref<80x128xf32, #tpu.memory_space<vmem>>)
      %add3A_94 = arith.constant 4 : i32
      %add3A_95 = arith.addi %mul3A_53, %add3A_94 : i32
      %dma_start3A_96 = arith.constant 0 : i32
      %dma_start3A_97 = tpu.memref_slice %arg6[%add3A_95, %dma_start3A_96] : memref<125x80xi32, #tpu.memory_space<vmem>> -> memref<1x80xi32, #tpu.memory_space<vmem>>
      %dma_start3A_98 = tpu.memref_squeeze %dma_start3A_97 : memref<1x80xi32, #tpu.memory_space<vmem>> -> memref<80xi32, #tpu.memory_space<vmem>>
      %dma_start3A_99 = arith.constant 0 : i32
      %dma_start3A_100 = arith.constant 0 : i32
      %dma_start3A_101 = tpu.memref_slice %arg2[%dma_start3A_99, %dma_start3A_100] : memref<20000x128xf32, #tpu.memory_space<hbm>> -> memref<20000x128xf32, #tpu.memory_space<hbm>>
      tpu.enqueue_indirect_dma source(%dma_start3A_101 : memref<20000x128xf32, #tpu.memory_space<hbm>>) target(%arg9 : memref<80x128xf32, #tpu.memory_space<vmem>>) offsets(%dma_start3A_98 : memref<80xi32, #tpu.memory_space<vmem>>) semaphore(%arg13 : memref<!tpu.dma_semaphore, #tpu.memory_space<semaphore_mem>>)
      %add3A_102 = arith.constant 2 : i32
      %add3A_103 = arith.addi %mul3A_53, %add3A_102 : i32
      "tpu.region"() ({
        %run_scoped3A_105 = tpu.sem_alloc : memref<!tpu.dma_semaphore, #tpu.memory_space<semaphore_mem>>
        %dma_start3A_106 = arith.constant 0 : i32
        %dma_start3A_107 = tpu.memref_slice %arg7[%add3A_103, %dma_start3A_106] : memref<125x80xi32, #tpu.memory_space<vmem>> -> memref<1x80xi32, #tpu.memory_space<vmem>>
        %dma_start3A_108 = tpu.memref_squeeze %dma_start3A_107 : memref<1x80xi32, #tpu.memory_space<vmem>> -> memref<80xi32, #tpu.memory_space<vmem>>
        %dma_start3A_109 = arith.constant 0 : i32
        %dma_start3A_110 = arith.constant 0 : i32
        %dma_start3A_111 = tpu.memref_slice %arg11[%dma_start3A_109, %dma_start3A_110] : memref<10000x128xf32, #tpu.memory_space<vmem_shared>> -> memref<10000x128xf32, #tpu.memory_space<vmem_shared>>
        tpu.enqueue_indirect_dma source(%arg10 : memref<80x128xf32, #tpu.memory_space<vmem>>) target(%dma_start3A_111 : memref<10000x128xf32, #tpu.memory_space<vmem_shared>>) offsets(%dma_start3A_108 : memref<80xi32, #tpu.memory_space<vmem>>) semaphore(%run_scoped3A_105 : memref<!tpu.dma_semaphore, #tpu.memory_space<semaphore_mem>>) {add = true}
        %dma_wait3A_112 = arith.constant 0 : i32
        %dma_wait3A_113 = tpu.memref_slice %arg7[%add3A_103, %dma_wait3A_112] : memref<125x80xi32, #tpu.memory_space<vmem>> -> memref<1x80xi32, #tpu.memory_space<vmem>>
        %dma_wait3A_114 = tpu.memref_squeeze %dma_wait3A_113 : memref<1x80xi32, #tpu.memory_space<vmem>> -> memref<80xi32, #tpu.memory_space<vmem>>
        %dma_wait3A_115 = arith.constant 0 : i32
        %dma_wait3A_116 = arith.constant 0 : i32
        %dma_wait3A_117 = tpu.memref_slice %arg11[%dma_wait3A_115, %dma_wait3A_116] : memref<10000x128xf32, #tpu.memory_space<vmem_shared>> -> memref<10000x128xf32, #tpu.memory_space<vmem_shared>>
        tpu.wait_indirect_dma semaphore(%run_scoped3A_105 : memref<!tpu.dma_semaphore, #tpu.memory_space<semaphore_mem>>) src(%arg10 : memref<80x128xf32, #tpu.memory_space<vmem>>) dst(%dma_wait3A_117 : memref<10000x128xf32, #tpu.memory_space<vmem_shared>>)
        tpu.yield
      }) : () -> ()
      %scan3A_104 = arith.constant 0 : i32
      scf.yield %scan3A_104 : i32
    }
    %scan3A_30 = arith.constant 41 : i32
    %dma_wait3A = arith.constant 123 : i32
    %dma_wait3A_31 = arith.constant 0 : i32
    %dma_wait3A_32 = tpu.memref_slice %arg6[%dma_wait3A, %dma_wait3A_31] : memref<125x80xi32, #tpu.memory_space<vmem>> -> memref<1x80xi32, #tpu.memory_space<vmem>>
    %dma_wait3A_33 = tpu.memref_squeeze %dma_wait3A_32 : memref<1x80xi32, #tpu.memory_space<vmem>> -> memref<80xi32, #tpu.memory_space<vmem>>
    %dma_wait3A_34 = arith.constant 0 : i32
    %dma_wait3A_35 = arith.constant 0 : i32
    %dma_wait3A_36 = tpu.memref_slice %arg2[%dma_wait3A_34, %dma_wait3A_35] : memref<20000x128xf32, #tpu.memory_space<hbm>> -> memref<20000x128xf32, #tpu.memory_space<hbm>>
    tpu.wait_indirect_dma semaphore(%arg12 : memref<!tpu.dma_semaphore, #tpu.memory_space<semaphore_mem>>) src(%dma_wait3A_36 : memref<20000x128xf32, #tpu.memory_space<hbm>>) dst(%arg8 : memref<80x128xf32, #tpu.memory_space<vmem>>)
    %run_scoped3A = arith.constant 123 : i32
    "tpu.region"() ({
      %run_scoped3A_50 = tpu.sem_alloc : memref<!tpu.dma_semaphore, #tpu.memory_space<semaphore_mem>>
      %dma_start3A_51 = arith.constant 0 : i32
      %dma_start3A_52 = tpu.memref_slice %arg7[%run_scoped3A, %dma_start3A_51] : memref<125x80xi32, #tpu.memory_space<vmem>> -> memref<1x80xi32, #tpu.memory_space<vmem>>
      %dma_start3A_53 = tpu.memref_squeeze %dma_start3A_52 : memref<1x80xi32, #tpu.memory_space<vmem>> -> memref<80xi32, #tpu.memory_space<vmem>>
      %dma_start3A_54 = arith.constant 0 : i32
      %dma_start3A_55 = arith.constant 0 : i32
      %dma_start3A_56 = tpu.memref_slice %arg11[%dma_start3A_54, %dma_start3A_55] : memref<10000x128xf32, #tpu.memory_space<vmem_shared>> -> memref<10000x128xf32, #tpu.memory_space<vmem_shared>>
      tpu.enqueue_indirect_dma source(%arg8 : memref<80x128xf32, #tpu.memory_space<vmem>>) target(%dma_start3A_56 : memref<10000x128xf32, #tpu.memory_space<vmem_shared>>) offsets(%dma_start3A_53 : memref<80xi32, #tpu.memory_space<vmem>>) semaphore(%run_scoped3A_50 : memref<!tpu.dma_semaphore, #tpu.memory_space<semaphore_mem>>) {add = true}
      %dma_wait3A_57 = arith.constant 0 : i32
      %dma_wait3A_58 = tpu.memref_slice %arg7[%run_scoped3A, %dma_wait3A_57] : memref<125x80xi32, #tpu.memory_space<vmem>> -> memref<1x80xi32, #tpu.memory_space<vmem>>
      %dma_wait3A_59 = tpu.memref_squeeze %dma_wait3A_58 : memref<1x80xi32, #tpu.memory_space<vmem>> -> memref<80xi32, #tpu.memory_space<vmem>>
      %dma_wait3A_60 = arith.constant 0 : i32
      %dma_wait3A_61 = arith.constant 0 : i32
      %dma_wait3A_62 = tpu.memref_slice %arg11[%dma_wait3A_60, %dma_wait3A_61] : memref<10000x128xf32, #tpu.memory_space<vmem_shared>> -> memref<10000x128xf32, #tpu.memory_space<vmem_shared>>
      tpu.wait_indirect_dma semaphore(%run_scoped3A_50 : memref<!tpu.dma_semaphore, #tpu.memory_space<semaphore_mem>>) src(%arg8 : memref<80x128xf32, #tpu.memory_space<vmem>>) dst(%dma_wait3A_62 : memref<10000x128xf32, #tpu.memory_space<vmem_shared>>)
      tpu.yield
    }) : () -> ()
    %dma_wait3A_37 = arith.constant 124 : i32
    %dma_wait3A_38 = arith.constant 0 : i32
    %dma_wait3A_39 = tpu.memref_slice %arg6[%dma_wait3A_37, %dma_wait3A_38] : memref<125x80xi32, #tpu.memory_space<vmem>> -> memref<1x80xi32, #tpu.memory_space<vmem>>
    %dma_wait3A_40 = tpu.memref_squeeze %dma_wait3A_39 : memref<1x80xi32, #tpu.memory_space<vmem>> -> memref<80xi32, #tpu.memory_space<vmem>>
    %dma_wait3A_41 = arith.constant 0 : i32
    %dma_wait3A_42 = arith.constant 0 : i32
    %dma_wait3A_43 = tpu.memref_slice %arg2[%dma_wait3A_41, %dma_wait3A_42] : memref<20000x128xf32, #tpu.memory_space<hbm>> -> memref<20000x128xf32, #tpu.memory_space<hbm>>
    tpu.wait_indirect_dma semaphore(%arg13 : memref<!tpu.dma_semaphore, #tpu.memory_space<semaphore_mem>>) src(%dma_wait3A_43 : memref<20000x128xf32, #tpu.memory_space<hbm>>) dst(%arg9 : memref<80x128xf32, #tpu.memory_space<vmem>>)
    %run_scoped3A_44 = arith.constant 124 : i32
    "tpu.region"() ({
      %run_scoped3A_50 = tpu.sem_alloc : memref<!tpu.dma_semaphore, #tpu.memory_space<semaphore_mem>>
      %dma_start3A_51 = arith.constant 0 : i32
      %dma_start3A_52 = tpu.memref_slice %arg7[%run_scoped3A_44, %dma_start3A_51] : memref<125x80xi32, #tpu.memory_space<vmem>> -> memref<1x80xi32, #tpu.memory_space<vmem>>
      %dma_start3A_53 = tpu.memref_squeeze %dma_start3A_52 : memref<1x80xi32, #tpu.memory_space<vmem>> -> memref<80xi32, #tpu.memory_space<vmem>>
      %dma_start3A_54 = arith.constant 0 : i32
      %dma_start3A_55 = arith.constant 0 : i32
      %dma_start3A_56 = tpu.memref_slice %arg11[%dma_start3A_54, %dma_start3A_55] : memref<10000x128xf32, #tpu.memory_space<vmem_shared>> -> memref<10000x128xf32, #tpu.memory_space<vmem_shared>>
      tpu.enqueue_indirect_dma source(%arg9 : memref<80x128xf32, #tpu.memory_space<vmem>>) target(%dma_start3A_56 : memref<10000x128xf32, #tpu.memory_space<vmem_shared>>) offsets(%dma_start3A_53 : memref<80xi32, #tpu.memory_space<vmem>>) semaphore(%run_scoped3A_50 : memref<!tpu.dma_semaphore, #tpu.memory_space<semaphore_mem>>) {add = true}
      %dma_wait3A_57 = arith.constant 0 : i32
      %dma_wait3A_58 = tpu.memref_slice %arg7[%run_scoped3A_44, %dma_wait3A_57] : memref<125x80xi32, #tpu.memory_space<vmem>> -> memref<1x80xi32, #tpu.memory_space<vmem>>
      %dma_wait3A_59 = tpu.memref_squeeze %dma_wait3A_58 : memref<1x80xi32, #tpu.memory_space<vmem>> -> memref<80xi32, #tpu.memory_space<vmem>>
      %dma_wait3A_60 = arith.constant 0 : i32
      %dma_wait3A_61 = arith.constant 0 : i32
      %dma_wait3A_62 = tpu.memref_slice %arg11[%dma_wait3A_60, %dma_wait3A_61] : memref<10000x128xf32, #tpu.memory_space<vmem_shared>> -> memref<10000x128xf32, #tpu.memory_space<vmem_shared>>
      tpu.wait_indirect_dma semaphore(%run_scoped3A_50 : memref<!tpu.dma_semaphore, #tpu.memory_space<semaphore_mem>>) src(%arg9 : memref<80x128xf32, #tpu.memory_space<vmem>>) dst(%dma_wait3A_62 : memref<10000x128xf32, #tpu.memory_space<vmem_shared>>)
      tpu.yield
    }) : () -> ()
    %barrier3A_45 = arith.constant 0 : index
    tpu.barrier barrier_id(%barrier3A_45)
    %mul3A_46 = arith.constant 625 : i32
    %mul3A_47 = arith.muli %arg1, %mul3A_46 : i32
    %mul3A_48 = arith.constant 625 : i32
    %mul3A_49 = arith.muli %arg1, %mul3A_48 : i32
    "tpu.region"() ({
      %run_scoped3A_50 = tpu.sem_alloc : memref<!tpu.dma_semaphore, #tpu.memory_space<semaphore_mem>>
      %dma_start3A_51 = arith.constant 0 : i32
      %dma_start3A_52 = tpu.memref_slice %arg5[%arg0, %mul3A_49, %dma_start3A_51] : memref<2x10000x128xf32, #tpu.memory_space<hbm>> -> memref<1x625x128xf32, #tpu.memory_space<hbm>>
      %dma_start3A_53 = tpu.memref_squeeze %dma_start3A_52 : memref<1x625x128xf32, #tpu.memory_space<hbm>> -> memref<625x128xf32, #tpu.memory_space<hbm>>
      %dma_start3A_54 = arith.constant 0 : i32
      %dma_start3A_55 = tpu.memref_slice %arg11[%mul3A_47, %dma_start3A_54] : memref<10000x128xf32, #tpu.memory_space<vmem_shared>> -> memref<625x128xf32, #tpu.memory_space<vmem_shared>>
      tpu.enqueue_dma source(%dma_start3A_55 : memref<625x128xf32, #tpu.memory_space<vmem_shared>>) target(%dma_start3A_53 : memref<625x128xf32, #tpu.memory_space<hbm>>) target_semaphore(%run_scoped3A_50 : memref<!tpu.dma_semaphore, #tpu.memory_space<semaphore_mem>>)
      %dma_wait3A_56 = arith.constant 0 : i32
      %dma_wait3A_57 = tpu.memref_slice %arg5[%arg0, %mul3A_49, %dma_wait3A_56] : memref<2x10000x128xf32, #tpu.memory_space<hbm>> -> memref<1x625x128xf32, #tpu.memory_space<hbm>>
      %dma_wait3A_58 = tpu.memref_squeeze %dma_wait3A_57 : memref<1x625x128xf32, #tpu.memory_space<hbm>> -> memref<625x128xf32, #tpu.memory_space<hbm>>
      %dma_wait3A_59 = arith.constant 0 : i32
      %dma_wait3A_60 = tpu.memref_slice %arg11[%mul3A_47, %dma_wait3A_59] : memref<10000x128xf32, #tpu.memory_space<vmem_shared>> -> memref<625x128xf32, #tpu.memory_space<vmem_shared>>
      tpu.wait_dma2 semaphore(%run_scoped3A_50 : memref<!tpu.dma_semaphore, #tpu.memory_space<semaphore_mem>>) src(%dma_wait3A_60 : memref<625x128xf32, #tpu.memory_space<vmem_shared>>) dst(%dma_wait3A_58 : memref<625x128xf32, #tpu.memory_space<hbm>>)
      tpu.yield
    }) : () -> ()
    return
  }
}

#map = affine_map<(d0, d1) -> (0, 0, 0)>
module attributes {stable_mosaic.version = 14 : i64} {
  func.func @_deg_body(%arg0: i32, %arg1: i32, %arg2: memref<32x125x40xi32, #tpu.memory_space<hbm>>, %arg3: memref<2x10000x16xf32, #tpu.memory_space<hbm>>, %arg4: memref<125x40xi32, #tpu.memory_space<vmem>>, %arg5: memref<40x16xf32, #tpu.memory_space<vmem>>, %arg6: memref<625x16xf32, #tpu.memory_space<vmem>>, %arg7: memref<10000x16xf32, #tpu.memory_space<vmem_shared>>) attributes {dimension_semantics = [#tpu.dimension_semantics<core_parallel>, #tpu.dimension_semantics<subcore_parallel>], iteration_bounds = array<i64: 2, 16>, scalar_prefetch = 0 : i64, scratch_operands = 4 : i64, tpu.core_type = #tpu.core_type<sc_vector_subcore>, window_params = [{transform_indices = #map}, {transform_indices = #map}]} {
    %mul3A = arith.constant 16 : i32
    %mul3A_0 = arith.muli %arg0, %mul3A : i32
    %add3A = arith.addi %mul3A_0, %arg1 : i32
    %scan3A = arith.constant 0 : i32
    %scan3A_1 = arith.constant 0 : i32
    %scan3A_2 = arith.constant 40 : i32
    %scan3A_3 = arith.addi %scan3A_1, %scan3A_2 : i32
    %scan3A_4 = arith.constant 1 : i32
    %scan3A_5 = scf.for %scan3A_28 = %scan3A_1 to %scan3A_3 step %scan3A_4 iter_args(%scan3A_29 = %scan3A) -> (i32)  : i32 {
      %broadcast_in_dim3A = arith.constant 1.000000e+00 : f32
      %broadcast_in_dim3A_30 = vector.broadcast %broadcast_in_dim3A : f32 to vector<16xf32>
      %swap3A = arith.index_cast %scan3A_28 : i32 to index
      %swap3A_31 = arith.constant 0 : index
      %swap3A_32 = tpu.vector_load %arg5[%swap3A, %swap3A_31] {strides = array<i32>} : memref<40x16xf32, #tpu.memory_space<vmem>>, vector<1x16xf32>,
      %swap3A_33 = vector.shape_cast %swap3A_32 : vector<1x16xf32> to vector<16xf32>
      %swap3A_34 = vector.shape_cast %broadcast_in_dim3A_30 : vector<16xf32> to vector<1x16xf32>
      tpu.vector_store %arg5[%swap3A, %swap3A_31], %swap3A_34 {strides = array<i32>} : memref<40x16xf32, #tpu.memory_space<vmem>>, vector<1x16xf32>,
      %scan3A_35 = arith.constant 0 : i32
      scf.yield %scan3A_35 : i32
    }
    %scan3A_6 = arith.constant 40 : i32
    %scan3A_7 = arith.constant 0 : i32
    %scan3A_8 = arith.constant 0 : i32
    %scan3A_9 = arith.constant 625 : i32
    %scan3A_10 = arith.addi %scan3A_8, %scan3A_9 : i32
    %scan3A_11 = arith.constant 1 : i32
    %scan3A_12 = scf.for %scan3A_28 = %scan3A_8 to %scan3A_10 step %scan3A_11 iter_args(%scan3A_29 = %scan3A_7) -> (i32)  : i32 {
      %broadcast_in_dim3A = arith.constant 0.000000e+00 : f32
      %broadcast_in_dim3A_30 = vector.broadcast %broadcast_in_dim3A : f32 to vector<16xf32>
      %swap3A = arith.index_cast %scan3A_28 : i32 to index
      %swap3A_31 = arith.constant 0 : index
      %swap3A_32 = tpu.vector_load %arg6[%swap3A, %swap3A_31] {strides = array<i32>} : memref<625x16xf32, #tpu.memory_space<vmem>>, vector<1x16xf32>,
      %swap3A_33 = vector.shape_cast %swap3A_32 : vector<1x16xf32> to vector<16xf32>
      %swap3A_34 = vector.shape_cast %broadcast_in_dim3A_30 : vector<16xf32> to vector<1x16xf32>
      tpu.vector_store %arg6[%swap3A, %swap3A_31], %swap3A_34 {strides = array<i32>} : memref<625x16xf32, #tpu.memory_space<vmem>>, vector<1x16xf32>,
      %scan3A_35 = arith.constant 0 : i32
      scf.yield %scan3A_35 : i32
    }
    %scan3A_13 = arith.constant 625 : i32
    %mul3A_14 = arith.constant 625 : i32
    %mul3A_15 = arith.muli %arg1, %mul3A_14 : i32
    "tpu.region"() ({
      %run_scoped3A = tpu.sem_alloc : memref<!tpu.dma_semaphore, #tpu.memory_space<semaphore_mem>>
      %dma_start3A = arith.constant 0 : i32
      %dma_start3A_28 = tpu.memref_slice %arg7[%mul3A_15, %dma_start3A] : memref<10000x16xf32, #tpu.memory_space<vmem_shared>> -> memref<625x16xf32, #tpu.memory_space<vmem_shared>>
      %dma_start3A_29 = arith.constant 0 : i32
      %dma_start3A_30 = tpu.memref_slice %arg7[%mul3A_15, %dma_start3A_29] : memref<10000x16xf32, #tpu.memory_space<vmem_shared>> -> memref<625x16xf32, #tpu.memory_space<vmem_shared>>
      tpu.enqueue_dma source(%arg6 : memref<625x16xf32, #tpu.memory_space<vmem>>) target(%dma_start3A_30 : memref<625x16xf32, #tpu.memory_space<vmem_shared>>) target_semaphore(%run_scoped3A : memref<!tpu.dma_semaphore, #tpu.memory_space<semaphore_mem>>)
      %dma_wait3A = arith.constant 0 : i32
      %dma_wait3A_31 = tpu.memref_slice %arg7[%mul3A_15, %dma_wait3A] : memref<10000x16xf32, #tpu.memory_space<vmem_shared>> -> memref<625x16xf32, #tpu.memory_space<vmem_shared>>
      %dma_wait3A_32 = arith.constant 0 : i32
      %dma_wait3A_33 = tpu.memref_slice %arg7[%mul3A_15, %dma_wait3A_32] : memref<10000x16xf32, #tpu.memory_space<vmem_shared>> -> memref<625x16xf32, #tpu.memory_space<vmem_shared>>
      tpu.wait_dma2 semaphore(%run_scoped3A : memref<!tpu.dma_semaphore, #tpu.memory_space<semaphore_mem>>) src(%arg6 : memref<625x16xf32, #tpu.memory_space<vmem>>) dst(%dma_wait3A_33 : memref<625x16xf32, #tpu.memory_space<vmem_shared>>)
      tpu.yield
    }) : () -> ()
    "tpu.region"() ({
      %run_scoped3A = tpu.sem_alloc : memref<!tpu.dma_semaphore, #tpu.memory_space<semaphore_mem>>
      %dma_start3A = arith.constant 0 : i32
      %dma_start3A_28 = arith.constant 0 : i32
      %dma_start3A_29 = tpu.memref_slice %arg2[%add3A, %dma_start3A, %dma_start3A_28] : memref<32x125x40xi32, #tpu.memory_space<hbm>> -> memref<1x125x40xi32, #tpu.memory_space<hbm>>
      %dma_start3A_30 = tpu.memref_squeeze %dma_start3A_29 : memref<1x125x40xi32, #tpu.memory_space<hbm>> -> memref<125x40xi32, #tpu.memory_space<hbm>>
      %dma_start3A_31 = arith.constant 0 : i32
      %dma_start3A_32 = arith.constant 0 : i32
      %dma_start3A_33 = tpu.memref_slice %arg2[%add3A, %dma_start3A_31, %dma_start3A_32] : memref<32x125x40xi32, #tpu.memory_space<hbm>> -> memref<1x125x40xi32, #tpu.memory_space<hbm>>
      %dma_start3A_34 = tpu.memref_squeeze %dma_start3A_33 : memref<1x125x40xi32, #tpu.memory_space<hbm>> -> memref<125x40xi32, #tpu.memory_space<hbm>>
      tpu.enqueue_dma source(%dma_start3A_34 : memref<125x40xi32, #tpu.memory_space<hbm>>) target(%arg4 : memref<125x40xi32, #tpu.memory_space<vmem>>) target_semaphore(%run_scoped3A : memref<!tpu.dma_semaphore, #tpu.memory_space<semaphore_mem>>)
      %dma_wait3A = arith.constant 0 : i32
      %dma_wait3A_35 = arith.constant 0 : i32
      %dma_wait3A_36 = tpu.memref_slice %arg2[%add3A, %dma_wait3A, %dma_wait3A_35] : memref<32x125x40xi32, #tpu.memory_space<hbm>> -> memref<1x125x40xi32, #tpu.memory_space<hbm>>
      %dma_wait3A_37 = tpu.memref_squeeze %dma_wait3A_36 : memref<1x125x40xi32, #tpu.memory_space<hbm>> -> memref<125x40xi32, #tpu.memory_space<hbm>>
      %dma_wait3A_38 = arith.constant 0 : i32
      %dma_wait3A_39 = arith.constant 0 : i32
      %dma_wait3A_40 = tpu.memref_slice %arg2[%add3A, %dma_wait3A_38, %dma_wait3A_39] : memref<32x125x40xi32, #tpu.memory_space<hbm>> -> memref<1x125x40xi32, #tpu.memory_space<hbm>>
      %dma_wait3A_41 = tpu.memref_squeeze %dma_wait3A_40 : memref<1x125x40xi32, #tpu.memory_space<hbm>> -> memref<125x40xi32, #tpu.memory_space<hbm>>
      tpu.wait_dma2 semaphore(%run_scoped3A : memref<!tpu.dma_semaphore, #tpu.memory_space<semaphore_mem>>) src(%dma_wait3A_41 : memref<125x40xi32, #tpu.memory_space<hbm>>) dst(%arg4 : memref<125x40xi32, #tpu.memory_space<vmem>>)
      tpu.yield
    }) : () -> ()
    %barrier3A = arith.constant 0 : index
    tpu.barrier barrier_id(%barrier3A)
    %scan3A_16 = arith.constant 0 : i32
    %scan3A_17 = arith.constant 0 : i32
    %scan3A_18 = arith.constant 125 : i32
    %scan3A_19 = arith.addi %scan3A_17, %scan3A_18 : i32
    %scan3A_20 = arith.constant 1 : i32
    %scan3A_21 = scf.for %scan3A_28 = %scan3A_17 to %scan3A_19 step %scan3A_20 iter_args(%scan3A_29 = %scan3A_16) -> (i32)  : i32 {
      "tpu.region"() ({
        %run_scoped3A = tpu.sem_alloc : memref<!tpu.dma_semaphore, #tpu.memory_space<semaphore_mem>>
        %dma_start3A = arith.constant 0 : i32
        %dma_start3A_31 = tpu.memref_slice %arg4[%scan3A_28, %dma_start3A] : memref<125x40xi32, #tpu.memory_space<vmem>> -> memref<1x40xi32, #tpu.memory_space<vmem>>
        %dma_start3A_32 = tpu.memref_squeeze %dma_start3A_31 : memref<1x40xi32, #tpu.memory_space<vmem>> -> memref<40xi32, #tpu.memory_space<vmem>>
        %dma_start3A_33 = arith.constant 0 : i32
        %dma_start3A_34 = arith.constant 0 : i32
        %dma_start3A_35 = tpu.memref_slice %arg7[%dma_start3A_33, %dma_start3A_34] : memref<10000x16xf32, #tpu.memory_space<vmem_shared>> -> memref<10000x16xf32, #tpu.memory_space<vmem_shared>>
        tpu.enqueue_indirect_dma source(%arg5 : memref<40x16xf32, #tpu.memory_space<vmem>>) target(%dma_start3A_35 : memref<10000x16xf32, #tpu.memory_space<vmem_shared>>) offsets(%dma_start3A_32 : memref<40xi32, #tpu.memory_space<vmem>>) semaphore(%run_scoped3A : memref<!tpu.dma_semaphore, #tpu.memory_space<semaphore_mem>>) {add = true}
        %dma_wait3A = arith.constant 0 : i32
        %dma_wait3A_36 = tpu.memref_slice %arg4[%scan3A_28, %dma_wait3A] : memref<125x40xi32, #tpu.memory_space<vmem>> -> memref<1x40xi32, #tpu.memory_space<vmem>>
        %dma_wait3A_37 = tpu.memref_squeeze %dma_wait3A_36 : memref<1x40xi32, #tpu.memory_space<vmem>> -> memref<40xi32, #tpu.memory_space<vmem>>
        %dma_wait3A_38 = arith.constant 0 : i32
        %dma_wait3A_39 = arith.constant 0 : i32
        %dma_wait3A_40 = tpu.memref_slice %arg7[%dma_wait3A_38, %dma_wait3A_39] : memref<10000x16xf32, #tpu.memory_space<vmem_shared>> -> memref<10000x16xf32, #tpu.memory_space<vmem_shared>>
        tpu.wait_indirect_dma semaphore(%run_scoped3A : memref<!tpu.dma_semaphore, #tpu.memory_space<semaphore_mem>>) src(%arg5 : memref<40x16xf32, #tpu.memory_space<vmem>>) dst(%dma_wait3A_40 : memref<10000x16xf32, #tpu.memory_space<vmem_shared>>)
        tpu.yield
      }) : () -> ()
      %scan3A_30 = arith.constant 0 : i32
      scf.yield %scan3A_30 : i32
    }
    %scan3A_22 = arith.constant 125 : i32
    %barrier3A_23 = arith.constant 0 : index
    tpu.barrier barrier_id(%barrier3A_23)
    %mul3A_24 = arith.constant 625 : i32
    %mul3A_25 = arith.muli %arg1, %mul3A_24 : i32
    %mul3A_26 = arith.constant 625 : i32
    %mul3A_27 = arith.muli %arg1, %mul3A_26 : i32
    "tpu.region"() ({
      %run_scoped3A = tpu.sem_alloc : memref<!tpu.dma_semaphore, #tpu.memory_space<semaphore_mem>>
      %dma_start3A = arith.constant 0 : i32
      %dma_start3A_28 = tpu.memref_slice %arg3[%arg0, %mul3A_27, %dma_start3A] : memref<2x10000x16xf32, #tpu.memory_space<hbm>> -> memref<1x625x16xf32, #tpu.memory_space<hbm>>
      %dma_start3A_29 = tpu.memref_squeeze %dma_start3A_28 : memref<1x625x16xf32, #tpu.memory_space<hbm>> -> memref<625x16xf32, #tpu.memory_space<hbm>>
      %dma_start3A_30 = arith.constant 0 : i32
      %dma_start3A_31 = tpu.memref_slice %arg7[%mul3A_25, %dma_start3A_30] : memref<10000x16xf32, #tpu.memory_space<vmem_shared>> -> memref<625x16xf32, #tpu.memory_space<vmem_shared>>
      tpu.enqueue_dma source(%dma_start3A_31 : memref<625x16xf32, #tpu.memory_space<vmem_shared>>) target(%dma_start3A_29 : memref<625x16xf32, #tpu.memory_space<hbm>>) target_semaphore(%run_scoped3A : memref<!tpu.dma_semaphore, #tpu.memory_space<semaphore_mem>>)
      %dma_wait3A = arith.constant 0 : i32
      %dma_wait3A_32 = tpu.memref_slice %arg3[%arg0, %mul3A_27, %dma_wait3A] : memref<2x10000x16xf32, #tpu.memory_space<hbm>> -> memref<1x625x16xf32, #tpu.memory_space<hbm>>
      %dma_wait3A_33 = tpu.memref_squeeze %dma_wait3A_32 : memref<1x625x16xf32, #tpu.memory_space<hbm>> -> memref<625x16xf32, #tpu.memory_space<hbm>>
      %dma_wait3A_34 = arith.constant 0 : i32
      %dma_wait3A_35 = tpu.memref_slice %arg7[%mul3A_25, %dma_wait3A_34] : memref<10000x16xf32, #tpu.memory_space<vmem_shared>> -> memref<625x16xf32, #tpu.memory_space<vmem_shared>>
      tpu.wait_dma2 semaphore(%run_scoped3A : memref<!tpu.dma_semaphore, #tpu.memory_space<semaphore_mem>>) src(%dma_wait3A_35 : memref<625x16xf32, #tpu.memory_space<vmem_shared>>) dst(%dma_wait3A_33 : memref<625x16xf32, #tpu.memory_space<hbm>>)
      tpu.yield
    }) : () -> ()
    return
  }
}

#map = affine_map<(d0, d1) -> (0, 0)>
#map1 = affine_map<(d0, d1) -> (0, 0, 0)>
module attributes {stable_mosaic.version = 14 : i64} {
  func.func @_scat_body(%arg0: i32, %arg1: i32, %arg2: memref<20000x128xf32, #tpu.memory_space<hbm>>, %arg3: memref<16x125x80xi32, #tpu.memory_space<hbm>>, %arg4: memref<16x125x80xi32, #tpu.memory_space<hbm>>, %arg5: memref<2x10000x128xf32, #tpu.memory_space<hbm>>, %arg6: memref<125x80xi32, #tpu.memory_space<vmem>>, %arg7: memref<125x80xi32, #tpu.memory_space<vmem>>, %arg8: memref<80x128xf32, #tpu.memory_space<vmem>>, %arg9: memref<80x128xf32, #tpu.memory_space<vmem>>, %arg10: memref<80x128xf32, #tpu.memory_space<vmem>>, %arg11: memref<10000x128xf32, #tpu.memory_space<vmem_shared>>, %arg12: memref<!tpu.dma_semaphore, #tpu.memory_space<semaphore_mem>>, %arg13: memref<!tpu.dma_semaphore, #tpu.memory_space<semaphore_mem>>, %arg14: memref<!tpu.dma_semaphore, #tpu.memory_space<semaphore_mem>>) attributes {dimension_semantics = [#tpu.dimension_semantics<core_parallel>, #tpu.dimension_semantics<subcore_parallel>], iteration_bounds = array<i64: 2, 16>, scalar_prefetch = 0 : i64, scratch_operands = 9 : i64, tpu.core_type = #tpu.core_type<sc_vector_subcore>, window_params = [{transform_indices = #map}, {transform_indices = #map1}, {transform_indices = #map1}, {transform_indices = #map1}]} {
    %mul3A = arith.constant 10000 : i32
    %mul3A_0 = arith.muli %arg0, %mul3A : i32
    %mul3A_1 = arith.constant 625 : i32
    %mul3A_2 = arith.muli %arg1, %mul3A_1 : i32
    %add3A = arith.addi %mul3A_0, %mul3A_2 : i32
    %mul3A_3 = arith.constant 625 : i32
    %mul3A_4 = arith.muli %arg1, %mul3A_3 : i32
    "tpu.region"() ({
      %run_scoped3A_50 = tpu.sem_alloc : memref<!tpu.dma_semaphore, #tpu.memory_space<semaphore_mem>>
      %dma_start3A_51 = arith.constant 0 : i32
      %dma_start3A_52 = tpu.memref_slice %arg11[%mul3A_4, %dma_start3A_51] : memref<10000x128xf32, #tpu.memory_space<vmem_shared>> -> memref<625x128xf32, #tpu.memory_space<vmem_shared>>
      %dma_start3A_53 = arith.constant 0 : i32
      %dma_start3A_54 = tpu.memref_slice %arg2[%add3A, %dma_start3A_53] : memref<20000x128xf32, #tpu.memory_space<hbm>> -> memref<625x128xf32, #tpu.memory_space<hbm>>
      tpu.enqueue_dma source(%dma_start3A_54 : memref<625x128xf32, #tpu.memory_space<hbm>>) target(%dma_start3A_52 : memref<625x128xf32, #tpu.memory_space<vmem_shared>>) target_semaphore(%run_scoped3A_50 : memref<!tpu.dma_semaphore, #tpu.memory_space<semaphore_mem>>)
      %dma_wait3A_55 = arith.constant 0 : i32
      %dma_wait3A_56 = tpu.memref_slice %arg11[%mul3A_4, %dma_wait3A_55] : memref<10000x128xf32, #tpu.memory_space<vmem_shared>> -> memref<625x128xf32, #tpu.memory_space<vmem_shared>>
      %dma_wait3A_57 = arith.constant 0 : i32
      %dma_wait3A_58 = tpu.memref_slice %arg2[%add3A, %dma_wait3A_57] : memref<20000x128xf32, #tpu.memory_space<hbm>> -> memref<625x128xf32, #tpu.memory_space<hbm>>
      tpu.wait_dma2 semaphore(%run_scoped3A_50 : memref<!tpu.dma_semaphore, #tpu.memory_space<semaphore_mem>>) src(%dma_wait3A_58 : memref<625x128xf32, #tpu.memory_space<hbm>>) dst(%dma_wait3A_56 : memref<625x128xf32, #tpu.memory_space<vmem_shared>>)
      tpu.yield
    }) : () -> ()
    "tpu.region"() ({
      %run_scoped3A_50 = tpu.sem_alloc : memref<!tpu.dma_semaphore, #tpu.memory_space<semaphore_mem>>
      %dma_start3A_51 = arith.constant 0 : i32
      %dma_start3A_52 = arith.constant 0 : i32
      %dma_start3A_53 = tpu.memref_slice %arg3[%arg1, %dma_start3A_51, %dma_start3A_52] : memref<16x125x80xi32, #tpu.memory_space<hbm>> -> memref<1x125x80xi32, #tpu.memory_space<hbm>>
      %dma_start3A_54 = tpu.memref_squeeze %dma_start3A_53 : memref<1x125x80xi32, #tpu.memory_space<hbm>> -> memref<125x80xi32, #tpu.memory_space<hbm>>
      %dma_start3A_55 = arith.constant 0 : i32
      %dma_start3A_56 = arith.constant 0 : i32
      %dma_start3A_57 = tpu.memref_slice %arg3[%arg1, %dma_start3A_55, %dma_start3A_56] : memref<16x125x80xi32, #tpu.memory_space<hbm>> -> memref<1x125x80xi32, #tpu.memory_space<hbm>>
      %dma_start3A_58 = tpu.memref_squeeze %dma_start3A_57 : memref<1x125x80xi32, #tpu.memory_space<hbm>> -> memref<125x80xi32, #tpu.memory_space<hbm>>
      tpu.enqueue_dma source(%dma_start3A_58 : memref<125x80xi32, #tpu.memory_space<hbm>>) target(%arg6 : memref<125x80xi32, #tpu.memory_space<vmem>>) target_semaphore(%run_scoped3A_50 : memref<!tpu.dma_semaphore, #tpu.memory_space<semaphore_mem>>)
      %dma_wait3A_59 = arith.constant 0 : i32
      %dma_wait3A_60 = arith.constant 0 : i32
      %dma_wait3A_61 = tpu.memref_slice %arg3[%arg1, %dma_wait3A_59, %dma_wait3A_60] : memref<16x125x80xi32, #tpu.memory_space<hbm>> -> memref<1x125x80xi32, #tpu.memory_space<hbm>>
      %dma_wait3A_62 = tpu.memref_squeeze %dma_wait3A_61 : memref<1x125x80xi32, #tpu.memory_space<hbm>> -> memref<125x80xi32, #tpu.memory_space<hbm>>
      %dma_wait3A_63 = arith.constant 0 : i32
      %dma_wait3A_64 = arith.constant 0 : i32
      %dma_wait3A_65 = tpu.memref_slice %arg3[%arg1, %dma_wait3A_63, %dma_wait3A_64] : memref<16x125x80xi32, #tpu.memory_space<hbm>> -> memref<1x125x80xi32, #tpu.memory_space<hbm>>
      %dma_wait3A_66 = tpu.memref_squeeze %dma_wait3A_65 : memref<1x125x80xi32, #tpu.memory_space<hbm>> -> memref<125x80xi32, #tpu.memory_space<hbm>>
      tpu.wait_dma2 semaphore(%run_scoped3A_50 : memref<!tpu.dma_semaphore, #tpu.memory_space<semaphore_mem>>) src(%dma_wait3A_66 : memref<125x80xi32, #tpu.memory_space<hbm>>) dst(%arg6 : memref<125x80xi32, #tpu.memory_space<vmem>>)
      tpu.yield
    }) : () -> ()
    "tpu.region"() ({
      %run_scoped3A_50 = tpu.sem_alloc : memref<!tpu.dma_semaphore, #tpu.memory_space<semaphore_mem>>
      %dma_start3A_51 = arith.constant 0 : i32
      %dma_start3A_52 = arith.constant 0 : i32
      %dma_start3A_53 = tpu.memref_slice %arg4[%arg1, %dma_start3A_51, %dma_start3A_52] : memref<16x125x80xi32, #tpu.memory_space<hbm>> -> memref<1x125x80xi32, #tpu.memory_space<hbm>>
      %dma_start3A_54 = tpu.memref_squeeze %dma_start3A_53 : memref<1x125x80xi32, #tpu.memory_space<hbm>> -> memref<125x80xi32, #tpu.memory_space<hbm>>
      %dma_start3A_55 = arith.constant 0 : i32
      %dma_start3A_56 = arith.constant 0 : i32
      %dma_start3A_57 = tpu.memref_slice %arg4[%arg1, %dma_start3A_55, %dma_start3A_56] : memref<16x125x80xi32, #tpu.memory_space<hbm>> -> memref<1x125x80xi32, #tpu.memory_space<hbm>>
      %dma_start3A_58 = tpu.memref_squeeze %dma_start3A_57 : memref<1x125x80xi32, #tpu.memory_space<hbm>> -> memref<125x80xi32, #tpu.memory_space<hbm>>
      tpu.enqueue_dma source(%dma_start3A_58 : memref<125x80xi32, #tpu.memory_space<hbm>>) target(%arg7 : memref<125x80xi32, #tpu.memory_space<vmem>>) target_semaphore(%run_scoped3A_50 : memref<!tpu.dma_semaphore, #tpu.memory_space<semaphore_mem>>)
      %dma_wait3A_59 = arith.constant 0 : i32
      %dma_wait3A_60 = arith.constant 0 : i32
      %dma_wait3A_61 = tpu.memref_slice %arg4[%arg1, %dma_wait3A_59, %dma_wait3A_60] : memref<16x125x80xi32, #tpu.memory_space<hbm>> -> memref<1x125x80xi32, #tpu.memory_space<hbm>>
      %dma_wait3A_62 = tpu.memref_squeeze %dma_wait3A_61 : memref<1x125x80xi32, #tpu.memory_space<hbm>> -> memref<125x80xi32, #tpu.memory_space<hbm>>
      %dma_wait3A_63 = arith.constant 0 : i32
      %dma_wait3A_64 = arith.constant 0 : i32
      %dma_wait3A_65 = tpu.memref_slice %arg4[%arg1, %dma_wait3A_63, %dma_wait3A_64] : memref<16x125x80xi32, #tpu.memory_space<hbm>> -> memref<1x125x80xi32, #tpu.memory_space<hbm>>
      %dma_wait3A_66 = tpu.memref_squeeze %dma_wait3A_65 : memref<1x125x80xi32, #tpu.memory_space<hbm>> -> memref<125x80xi32, #tpu.memory_space<hbm>>
      tpu.wait_dma2 semaphore(%run_scoped3A_50 : memref<!tpu.dma_semaphore, #tpu.memory_space<semaphore_mem>>) src(%dma_wait3A_66 : memref<125x80xi32, #tpu.memory_space<hbm>>) dst(%arg7 : memref<125x80xi32, #tpu.memory_space<vmem>>)
      tpu.yield
    }) : () -> ()
    %scan3A = arith.constant 0 : i32
    %scan3A_5 = arith.constant 0 : i32
    %scan3A_6 = arith.constant 125 : i32
    %scan3A_7 = arith.addi %scan3A_5, %scan3A_6 : i32
    %scan3A_8 = arith.constant 1 : i32
    %scan3A_9 = scf.for %scan3A_50 = %scan3A_5 to %scan3A_7 step %scan3A_8 iter_args(%scan3A_51 = %scan3A) -> (i32)  : i32 {
      %scan3A_52 = arith.constant 0 : i32
      %scan3A_53 = arith.constant 0 : i32
      %scan3A_54 = arith.constant 5 : i32
      %scan3A_55 = arith.addi %scan3A_53, %scan3A_54 : i32
      %scan3A_56 = arith.constant 1 : i32
      %scan3A_57 = scf.for %scan3A_59 = %scan3A_53 to %scan3A_55 step %scan3A_56 iter_args(%scan3A_60 = %scan3A_52) -> (i32)  : i32 {
        %mul3A_61 = arith.constant 16 : i32
        %mul3A_62 = arith.muli %scan3A_59, %mul3A_61 : i32
        %get3A = arith.index_cast %scan3A_50 : i32 to index
        %get3A_63 = arith.index_cast %mul3A_62 : i32 to index
        %get3A_64 = tpu.vector_load %arg6[%get3A, %get3A_63] {strides = array<i32>} : memref<125x80xi32, #tpu.memory_space<vmem>>, vector<1x16xi32>,
        %get3A_65 = vector.shape_cast %get3A_64 : vector<1x16xi32> to vector<16xi32>
        %add3A_66 = vector.broadcast %mul3A_0 : i32 to vector<16xi32>
        %add3A_67 = arith.addi %get3A_65, %add3A_66 : vector<16xi32>
        %mul3A_68 = arith.constant 16 : i32
        %mul3A_69 = arith.muli %scan3A_59, %mul3A_68 : i32
        %swap3A = arith.index_cast %scan3A_50 : i32 to index
        %swap3A_70 = arith.index_cast %mul3A_69 : i32 to index
        %swap3A_71 = tpu.vector_load %arg6[%swap3A, %swap3A_70] {strides = array<i32>} : memref<125x80xi32, #tpu.memory_space<vmem>>, vector<1x16xi32>,
        %swap3A_72 = vector.shape_cast %swap3A_71 : vector<1x16xi32> to vector<16xi32>
        %swap3A_73 = vector.shape_cast %add3A_67 : vector<16xi32> to vector<1x16xi32>
        tpu.vector_store %arg6[%swap3A, %swap3A_70], %swap3A_73 {strides = array<i32>} : memref<125x80xi32, #tpu.memory_space<vmem>>, vector<1x16xi32>,
        %scan3A_74 = arith.constant 0 : i32
        scf.yield %scan3A_74 : i32
      }
      %scan3A_58 = arith.constant 5 : i32
      scf.yield %scan3A_57 : i32
    }
    %scan3A_10 = arith.constant 125 : i32
    %barrier3A = arith.constant 0 : index
    tpu.barrier barrier_id(%barrier3A)
    %dma_start3A = arith.constant 0 : i32
    %dma_start3A_11 = arith.constant 0 : i32
    %dma_start3A_12 = tpu.memref_slice %arg6[%dma_start3A, %dma_start3A_11] : memref<125x80xi32, #tpu.memory_space<vmem>> -> memref<1x80xi32, #tpu.memory_space<vmem>>
    %dma_start3A_13 = tpu.memref_squeeze %dma_start3A_12 : memref<1x80xi32, #tpu.memory_space<vmem>> -> memref<80xi32, #tpu.memory_space<vmem>>
    %dma_start3A_14 = arith.constant 0 : i32
    %dma_start3A_15 = arith.constant 0 : i32
    %dma_start3A_16 = tpu.memref_slice %arg2[%dma_start3A_14, %dma_start3A_15] : memref<20000x128xf32, #tpu.memory_space<hbm>> -> memref<20000x128xf32, #tpu.memory_space<hbm>>
    tpu.enqueue_indirect_dma source(%dma_start3A_16 : memref<20000x128xf32, #tpu.memory_space<hbm>>) target(%arg8 : memref<80x128xf32, #tpu.memory_space<vmem>>) offsets(%dma_start3A_13 : memref<80xi32, #tpu.memory_space<vmem>>) semaphore(%arg12 : memref<!tpu.dma_semaphore, #tpu.memory_space<semaphore_mem>>)
    %dma_start3A_17 = arith.constant 1 : i32
    %dma_start3A_18 = arith.constant 0 : i32
    %dma_start3A_19 = tpu.memref_slice %arg6[%dma_start3A_17, %dma_start3A_18] : memref<125x80xi32, #tpu.memory_space<vmem>> -> memref<1x80xi32, #tpu.memory_space<vmem>>
    %dma_start3A_20 = tpu.memref_squeeze %dma_start3A_19 : memref<1x80xi32, #tpu.memory_space<vmem>> -> memref<80xi32, #tpu.memory_space<vmem>>
    %dma_start3A_21 = arith.constant 0 : i32
    %dma_start3A_22 = arith.constant 0 : i32
    %dma_start3A_23 = tpu.memref_slice %arg2[%dma_start3A_21, %dma_start3A_22] : memref<20000x128xf32, #tpu.memory_space<hbm>> -> memref<20000x128xf32, #tpu.memory_space<hbm>>
    tpu.enqueue_indirect_dma source(%dma_start3A_23 : memref<20000x128xf32, #tpu.memory_space<hbm>>) target(%arg9 : memref<80x128xf32, #tpu.memory_space<vmem>>) offsets(%dma_start3A_20 : memref<80xi32, #tpu.memory_space<vmem>>) semaphore(%arg13 : memref<!tpu.dma_semaphore, #tpu.memory_space<semaphore_mem>>)
    %scan3A_24 = arith.constant 0 : i32
    %scan3A_25 = arith.constant 0 : i32
    %scan3A_26 = arith.constant 41 : i32
    %scan3A_27 = arith.addi %scan3A_25, %scan3A_26 : i32
    %scan3A_28 = arith.constant 1 : i32
    %scan3A_29 = scf.for %scan3A_50 = %scan3A_25 to %scan3A_27 step %scan3A_28 iter_args(%scan3A_51 = %scan3A_24) -> (i32)  : i32 {
      %mul3A_52 = arith.constant 3 : i32
      %mul3A_53 = arith.muli %mul3A_52, %scan3A_50 : i32
      %dma_wait3A_54 = arith.constant 0 : i32
      %dma_wait3A_55 = tpu.memref_slice %arg6[%mul3A_53, %dma_wait3A_54] : memref<125x80xi32, #tpu.memory_space<vmem>> -> memref<1x80xi32, #tpu.memory_space<vmem>>
      %dma_wait3A_56 = tpu.memref_squeeze %dma_wait3A_55 : memref<1x80xi32, #tpu.memory_space<vmem>> -> memref<80xi32, #tpu.memory_space<vmem>>
      %dma_wait3A_57 = arith.constant 0 : i32
      %dma_wait3A_58 = arith.constant 0 : i32
      %dma_wait3A_59 = tpu.memref_slice %arg2[%dma_wait3A_57, %dma_wait3A_58] : memref<20000x128xf32, #tpu.memory_space<hbm>> -> memref<20000x128xf32, #tpu.memory_space<hbm>>
      tpu.wait_indirect_dma semaphore(%arg12 : memref<!tpu.dma_semaphore, #tpu.memory_space<semaphore_mem>>) src(%dma_wait3A_59 : memref<20000x128xf32, #tpu.memory_space<hbm>>) dst(%arg8 : memref<80x128xf32, #tpu.memory_space<vmem>>)
      %add3A_60 = arith.constant 2 : i32
      %add3A_61 = arith.addi %mul3A_53, %add3A_60 : i32
      %dma_start3A_62 = arith.constant 0 : i32
      %dma_start3A_63 = tpu.memref_slice %arg6[%add3A_61, %dma_start3A_62] : memref<125x80xi32, #tpu.memory_space<vmem>> -> memref<1x80xi32, #tpu.memory_space<vmem>>
      %dma_start3A_64 = tpu.memref_squeeze %dma_start3A_63 : memref<1x80xi32, #tpu.memory_space<vmem>> -> memref<80xi32, #tpu.memory_space<vmem>>
      %dma_start3A_65 = arith.constant 0 : i32
      %dma_start3A_66 = arith.constant 0 : i32
      %dma_start3A_67 = tpu.memref_slice %arg2[%dma_start3A_65, %dma_start3A_66] : memref<20000x128xf32, #tpu.memory_space<hbm>> -> memref<20000x128xf32, #tpu.memory_space<hbm>>
      tpu.enqueue_indirect_dma source(%dma_start3A_67 : memref<20000x128xf32, #tpu.memory_space<hbm>>) target(%arg10 : memref<80x128xf32, #tpu.memory_space<vmem>>) offsets(%dma_start3A_64 : memref<80xi32, #tpu.memory_space<vmem>>) semaphore(%arg14 : memref<!tpu.dma_semaphore, #tpu.memory_space<semaphore_mem>>)
      "tpu.region"() ({
        %run_scoped3A_105 = tpu.sem_alloc : memref<!tpu.dma_semaphore, #tpu.memory_space<semaphore_mem>>
        %dma_start3A_106 = arith.constant 0 : i32
        %dma_start3A_107 = tpu.memref_slice %arg7[%mul3A_53, %dma_start3A_106] : memref<125x80xi32, #tpu.memory_space<vmem>> -> memref<1x80xi32, #tpu.memory_space<vmem>>
        %dma_start3A_108 = tpu.memref_squeeze %dma_start3A_107 : memref<1x80xi32, #tpu.memory_space<vmem>> -> memref<80xi32, #tpu.memory_space<vmem>>
        %dma_start3A_109 = arith.constant 0 : i32
        %dma_start3A_110 = arith.constant 0 : i32
        %dma_start3A_111 = tpu.memref_slice %arg11[%dma_start3A_109, %dma_start3A_110] : memref<10000x128xf32, #tpu.memory_space<vmem_shared>> -> memref<10000x128xf32, #tpu.memory_space<vmem_shared>>
        tpu.enqueue_indirect_dma source(%arg8 : memref<80x128xf32, #tpu.memory_space<vmem>>) target(%dma_start3A_111 : memref<10000x128xf32, #tpu.memory_space<vmem_shared>>) offsets(%dma_start3A_108 : memref<80xi32, #tpu.memory_space<vmem>>) semaphore(%run_scoped3A_105 : memref<!tpu.dma_semaphore, #tpu.memory_space<semaphore_mem>>) {add = true}
        %dma_wait3A_112 = arith.constant 0 : i32
        %dma_wait3A_113 = tpu.memref_slice %arg7[%mul3A_53, %dma_wait3A_112] : memref<125x80xi32, #tpu.memory_space<vmem>> -> memref<1x80xi32, #tpu.memory_space<vmem>>
        %dma_wait3A_114 = tpu.memref_squeeze %dma_wait3A_113 : memref<1x80xi32, #tpu.memory_space<vmem>> -> memref<80xi32, #tpu.memory_space<vmem>>
        %dma_wait3A_115 = arith.constant 0 : i32
        %dma_wait3A_116 = arith.constant 0 : i32
        %dma_wait3A_117 = tpu.memref_slice %arg11[%dma_wait3A_115, %dma_wait3A_116] : memref<10000x128xf32, #tpu.memory_space<vmem_shared>> -> memref<10000x128xf32, #tpu.memory_space<vmem_shared>>
        tpu.wait_indirect_dma semaphore(%run_scoped3A_105 : memref<!tpu.dma_semaphore, #tpu.memory_space<semaphore_mem>>) src(%arg8 : memref<80x128xf32, #tpu.memory_space<vmem>>) dst(%dma_wait3A_117 : memref<10000x128xf32, #tpu.memory_space<vmem_shared>>)
        tpu.yield
      }) : () -> ()
      %add3A_68 = arith.constant 1 : i32
      %add3A_69 = arith.addi %mul3A_53, %add3A_68 : i32
      %dma_wait3A_70 = arith.constant 0 : i32
      %dma_wait3A_71 = tpu.memref_slice %arg6[%add3A_69, %dma_wait3A_70] : memref<125x80xi32, #tpu.memory_space<vmem>> -> memref<1x80xi32, #tpu.memory_space<vmem>>
      %dma_wait3A_72 = tpu.memref_squeeze %dma_wait3A_71 : memref<1x80xi32, #tpu.memory_space<vmem>> -> memref<80xi32, #tpu.memory_space<vmem>>
      %dma_wait3A_73 = arith.constant 0 : i32
      %dma_wait3A_74 = arith.constant 0 : i32
      %dma_wait3A_75 = tpu.memref_slice %arg2[%dma_wait3A_73, %dma_wait3A_74] : memref<20000x128xf32, #tpu.memory_space<hbm>> -> memref<20000x128xf32, #tpu.memory_space<hbm>>
      tpu.wait_indirect_dma semaphore(%arg13 : memref<!tpu.dma_semaphore, #tpu.memory_space<semaphore_mem>>) src(%dma_wait3A_75 : memref<20000x128xf32, #tpu.memory_space<hbm>>) dst(%arg9 : memref<80x128xf32, #tpu.memory_space<vmem>>)
      %add3A_76 = arith.constant 3 : i32
      %add3A_77 = arith.addi %mul3A_53, %add3A_76 : i32
      %dma_start3A_78 = arith.constant 0 : i32
      %dma_start3A_79 = tpu.memref_slice %arg6[%add3A_77, %dma_start3A_78] : memref<125x80xi32, #tpu.memory_space<vmem>> -> memref<1x80xi32, #tpu.memory_space<vmem>>
      %dma_start3A_80 = tpu.memref_squeeze %dma_start3A_79 : memref<1x80xi32, #tpu.memory_space<vmem>> -> memref<80xi32, #tpu.memory_space<vmem>>
      %dma_start3A_81 = arith.constant 0 : i32
      %dma_start3A_82 = arith.constant 0 : i32
      %dma_start3A_83 = tpu.memref_slice %arg2[%dma_start3A_81, %dma_start3A_82] : memref<20000x128xf32, #tpu.memory_space<hbm>> -> memref<20000x128xf32, #tpu.memory_space<hbm>>
      tpu.enqueue_indirect_dma source(%dma_start3A_83 : memref<20000x128xf32, #tpu.memory_space<hbm>>) target(%arg8 : memref<80x128xf32, #tpu.memory_space<vmem>>) offsets(%dma_start3A_80 : memref<80xi32, #tpu.memory_space<vmem>>) semaphore(%arg12 : memref<!tpu.dma_semaphore, #tpu.memory_space<semaphore_mem>>)
      %add3A_84 = arith.constant 1 : i32
      %add3A_85 = arith.addi %mul3A_53, %add3A_84 : i32
      "tpu.region"() ({
        %run_scoped3A_105 = tpu.sem_alloc : memref<!tpu.dma_semaphore, #tpu.memory_space<semaphore_mem>>
        %dma_start3A_106 = arith.constant 0 : i32
        %dma_start3A_107 = tpu.memref_slice %arg7[%add3A_85, %dma_start3A_106] : memref<125x80xi32, #tpu.memory_space<vmem>> -> memref<1x80xi32, #tpu.memory_space<vmem>>
        %dma_start3A_108 = tpu.memref_squeeze %dma_start3A_107 : memref<1x80xi32, #tpu.memory_space<vmem>> -> memref<80xi32, #tpu.memory_space<vmem>>
        %dma_start3A_109 = arith.constant 0 : i32
        %dma_start3A_110 = arith.constant 0 : i32
        %dma_start3A_111 = tpu.memref_slice %arg11[%dma_start3A_109, %dma_start3A_110] : memref<10000x128xf32, #tpu.memory_space<vmem_shared>> -> memref<10000x128xf32, #tpu.memory_space<vmem_shared>>
        tpu.enqueue_indirect_dma source(%arg9 : memref<80x128xf32, #tpu.memory_space<vmem>>) target(%dma_start3A_111 : memref<10000x128xf32, #tpu.memory_space<vmem_shared>>) offsets(%dma_start3A_108 : memref<80xi32, #tpu.memory_space<vmem>>) semaphore(%run_scoped3A_105 : memref<!tpu.dma_semaphore, #tpu.memory_space<semaphore_mem>>) {add = true}
        %dma_wait3A_112 = arith.constant 0 : i32
        %dma_wait3A_113 = tpu.memref_slice %arg7[%add3A_85, %dma_wait3A_112] : memref<125x80xi32, #tpu.memory_space<vmem>> -> memref<1x80xi32, #tpu.memory_space<vmem>>
        %dma_wait3A_114 = tpu.memref_squeeze %dma_wait3A_113 : memref<1x80xi32, #tpu.memory_space<vmem>> -> memref<80xi32, #tpu.memory_space<vmem>>
        %dma_wait3A_115 = arith.constant 0 : i32
        %dma_wait3A_116 = arith.constant 0 : i32
        %dma_wait3A_117 = tpu.memref_slice %arg11[%dma_wait3A_115, %dma_wait3A_116] : memref<10000x128xf32, #tpu.memory_space<vmem_shared>> -> memref<10000x128xf32, #tpu.memory_space<vmem_shared>>
        tpu.wait_indirect_dma semaphore(%run_scoped3A_105 : memref<!tpu.dma_semaphore, #tpu.memory_space<semaphore_mem>>) src(%arg9 : memref<80x128xf32, #tpu.memory_space<vmem>>) dst(%dma_wait3A_117 : memref<10000x128xf32, #tpu.memory_space<vmem_shared>>)
        tpu.yield
      }) : () -> ()
      %add3A_86 = arith.constant 2 : i32
      %add3A_87 = arith.addi %mul3A_53, %add3A_86 : i32
      %dma_wait3A_88 = arith.constant 0 : i32
      %dma_wait3A_89 = tpu.memref_slice %arg6[%add3A_87, %dma_wait3A_88] : memref<125x80xi32, #tpu.memory_space<vmem>> -> memref<1x80xi32, #tpu.memory_space<vmem>>
      %dma_wait3A_90 = tpu.memref_squeeze %dma_wait3A_89 : memref<1x80xi32, #tpu.memory_space<vmem>> -> memref<80xi32, #tpu.memory_space<vmem>>
      %dma_wait3A_91 = arith.constant 0 : i32
      %dma_wait3A_92 = arith.constant 0 : i32
      %dma_wait3A_93 = tpu.memref_slice %arg2[%dma_wait3A_91, %dma_wait3A_92] : memref<20000x128xf32, #tpu.memory_space<hbm>> -> memref<20000x128xf32, #tpu.memory_space<hbm>>
      tpu.wait_indirect_dma semaphore(%arg14 : memref<!tpu.dma_semaphore, #tpu.memory_space<semaphore_mem>>) src(%dma_wait3A_93 : memref<20000x128xf32, #tpu.memory_space<hbm>>) dst(%arg10 : memref<80x128xf32, #tpu.memory_space<vmem>>)
      %add3A_94 = arith.constant 4 : i32
      %add3A_95 = arith.addi %mul3A_53, %add3A_94 : i32
      %dma_start3A_96 = arith.constant 0 : i32
      %dma_start3A_97 = tpu.memref_slice %arg6[%add3A_95, %dma_start3A_96] : memref<125x80xi32, #tpu.memory_space<vmem>> -> memref<1x80xi32, #tpu.memory_space<vmem>>
      %dma_start3A_98 = tpu.memref_squeeze %dma_start3A_97 : memref<1x80xi32, #tpu.memory_space<vmem>> -> memref<80xi32, #tpu.memory_space<vmem>>
      %dma_start3A_99 = arith.constant 0 : i32
      %dma_start3A_100 = arith.constant 0 : i32
      %dma_start3A_101 = tpu.memref_slice %arg2[%dma_start3A_99, %dma_start3A_100] : memref<20000x128xf32, #tpu.memory_space<hbm>> -> memref<20000x128xf32, #tpu.memory_space<hbm>>
      tpu.enqueue_indirect_dma source(%dma_start3A_101 : memref<20000x128xf32, #tpu.memory_space<hbm>>) target(%arg9 : memref<80x128xf32, #tpu.memory_space<vmem>>) offsets(%dma_start3A_98 : memref<80xi32, #tpu.memory_space<vmem>>) semaphore(%arg13 : memref<!tpu.dma_semaphore, #tpu.memory_space<semaphore_mem>>)
      %add3A_102 = arith.constant 2 : i32
      %add3A_103 = arith.addi %mul3A_53, %add3A_102 : i32
      "tpu.region"() ({
        %run_scoped3A_105 = tpu.sem_alloc : memref<!tpu.dma_semaphore, #tpu.memory_space<semaphore_mem>>
        %dma_start3A_106 = arith.constant 0 : i32
        %dma_start3A_107 = tpu.memref_slice %arg7[%add3A_103, %dma_start3A_106] : memref<125x80xi32, #tpu.memory_space<vmem>> -> memref<1x80xi32, #tpu.memory_space<vmem>>
        %dma_start3A_108 = tpu.memref_squeeze %dma_start3A_107 : memref<1x80xi32, #tpu.memory_space<vmem>> -> memref<80xi32, #tpu.memory_space<vmem>>
        %dma_start3A_109 = arith.constant 0 : i32
        %dma_start3A_110 = arith.constant 0 : i32
        %dma_start3A_111 = tpu.memref_slice %arg11[%dma_start3A_109, %dma_start3A_110] : memref<10000x128xf32, #tpu.memory_space<vmem_shared>> -> memref<10000x128xf32, #tpu.memory_space<vmem_shared>>
        tpu.enqueue_indirect_dma source(%arg10 : memref<80x128xf32, #tpu.memory_space<vmem>>) target(%dma_start3A_111 : memref<10000x128xf32, #tpu.memory_space<vmem_shared>>) offsets(%dma_start3A_108 : memref<80xi32, #tpu.memory_space<vmem>>) semaphore(%run_scoped3A_105 : memref<!tpu.dma_semaphore, #tpu.memory_space<semaphore_mem>>) {add = true}
        %dma_wait3A_112 = arith.constant 0 : i32
        %dma_wait3A_113 = tpu.memref_slice %arg7[%add3A_103, %dma_wait3A_112] : memref<125x80xi32, #tpu.memory_space<vmem>> -> memref<1x80xi32, #tpu.memory_space<vmem>>
        %dma_wait3A_114 = tpu.memref_squeeze %dma_wait3A_113 : memref<1x80xi32, #tpu.memory_space<vmem>> -> memref<80xi32, #tpu.memory_space<vmem>>
        %dma_wait3A_115 = arith.constant 0 : i32
        %dma_wait3A_116 = arith.constant 0 : i32
        %dma_wait3A_117 = tpu.memref_slice %arg11[%dma_wait3A_115, %dma_wait3A_116] : memref<10000x128xf32, #tpu.memory_space<vmem_shared>> -> memref<10000x128xf32, #tpu.memory_space<vmem_shared>>
        tpu.wait_indirect_dma semaphore(%run_scoped3A_105 : memref<!tpu.dma_semaphore, #tpu.memory_space<semaphore_mem>>) src(%arg10 : memref<80x128xf32, #tpu.memory_space<vmem>>) dst(%dma_wait3A_117 : memref<10000x128xf32, #tpu.memory_space<vmem_shared>>)
        tpu.yield
      }) : () -> ()
      %scan3A_104 = arith.constant 0 : i32
      scf.yield %scan3A_104 : i32
    }
    %scan3A_30 = arith.constant 41 : i32
    %dma_wait3A = arith.constant 123 : i32
    %dma_wait3A_31 = arith.constant 0 : i32
    %dma_wait3A_32 = tpu.memref_slice %arg6[%dma_wait3A, %dma_wait3A_31] : memref<125x80xi32, #tpu.memory_space<vmem>> -> memref<1x80xi32, #tpu.memory_space<vmem>>
    %dma_wait3A_33 = tpu.memref_squeeze %dma_wait3A_32 : memref<1x80xi32, #tpu.memory_space<vmem>> -> memref<80xi32, #tpu.memory_space<vmem>>
    %dma_wait3A_34 = arith.constant 0 : i32
    %dma_wait3A_35 = arith.constant 0 : i32
    %dma_wait3A_36 = tpu.memref_slice %arg2[%dma_wait3A_34, %dma_wait3A_35] : memref<20000x128xf32, #tpu.memory_space<hbm>> -> memref<20000x128xf32, #tpu.memory_space<hbm>>
    tpu.wait_indirect_dma semaphore(%arg12 : memref<!tpu.dma_semaphore, #tpu.memory_space<semaphore_mem>>) src(%dma_wait3A_36 : memref<20000x128xf32, #tpu.memory_space<hbm>>) dst(%arg8 : memref<80x128xf32, #tpu.memory_space<vmem>>)
    %run_scoped3A = arith.constant 123 : i32
    "tpu.region"() ({
      %run_scoped3A_50 = tpu.sem_alloc : memref<!tpu.dma_semaphore, #tpu.memory_space<semaphore_mem>>
      %dma_start3A_51 = arith.constant 0 : i32
      %dma_start3A_52 = tpu.memref_slice %arg7[%run_scoped3A, %dma_start3A_51] : memref<125x80xi32, #tpu.memory_space<vmem>> -> memref<1x80xi32, #tpu.memory_space<vmem>>
      %dma_start3A_53 = tpu.memref_squeeze %dma_start3A_52 : memref<1x80xi32, #tpu.memory_space<vmem>> -> memref<80xi32, #tpu.memory_space<vmem>>
      %dma_start3A_54 = arith.constant 0 : i32
      %dma_start3A_55 = arith.constant 0 : i32
      %dma_start3A_56 = tpu.memref_slice %arg11[%dma_start3A_54, %dma_start3A_55] : memref<10000x128xf32, #tpu.memory_space<vmem_shared>> -> memref<10000x128xf32, #tpu.memory_space<vmem_shared>>
      tpu.enqueue_indirect_dma source(%arg8 : memref<80x128xf32, #tpu.memory_space<vmem>>) target(%dma_start3A_56 : memref<10000x128xf32, #tpu.memory_space<vmem_shared>>) offsets(%dma_start3A_53 : memref<80xi32, #tpu.memory_space<vmem>>) semaphore(%run_scoped3A_50 : memref<!tpu.dma_semaphore, #tpu.memory_space<semaphore_mem>>) {add = true}
      %dma_wait3A_57 = arith.constant 0 : i32
      %dma_wait3A_58 = tpu.memref_slice %arg7[%run_scoped3A, %dma_wait3A_57] : memref<125x80xi32, #tpu.memory_space<vmem>> -> memref<1x80xi32, #tpu.memory_space<vmem>>
      %dma_wait3A_59 = tpu.memref_squeeze %dma_wait3A_58 : memref<1x80xi32, #tpu.memory_space<vmem>> -> memref<80xi32, #tpu.memory_space<vmem>>
      %dma_wait3A_60 = arith.constant 0 : i32
      %dma_wait3A_61 = arith.constant 0 : i32
      %dma_wait3A_62 = tpu.memref_slice %arg11[%dma_wait3A_60, %dma_wait3A_61] : memref<10000x128xf32, #tpu.memory_space<vmem_shared>> -> memref<10000x128xf32, #tpu.memory_space<vmem_shared>>
      tpu.wait_indirect_dma semaphore(%run_scoped3A_50 : memref<!tpu.dma_semaphore, #tpu.memory_space<semaphore_mem>>) src(%arg8 : memref<80x128xf32, #tpu.memory_space<vmem>>) dst(%dma_wait3A_62 : memref<10000x128xf32, #tpu.memory_space<vmem_shared>>)
      tpu.yield
    }) : () -> ()
    %dma_wait3A_37 = arith.constant 124 : i32
    %dma_wait3A_38 = arith.constant 0 : i32
    %dma_wait3A_39 = tpu.memref_slice %arg6[%dma_wait3A_37, %dma_wait3A_38] : memref<125x80xi32, #tpu.memory_space<vmem>> -> memref<1x80xi32, #tpu.memory_space<vmem>>
    %dma_wait3A_40 = tpu.memref_squeeze %dma_wait3A_39 : memref<1x80xi32, #tpu.memory_space<vmem>> -> memref<80xi32, #tpu.memory_space<vmem>>
    %dma_wait3A_41 = arith.constant 0 : i32
    %dma_wait3A_42 = arith.constant 0 : i32
    %dma_wait3A_43 = tpu.memref_slice %arg2[%dma_wait3A_41, %dma_wait3A_42] : memref<20000x128xf32, #tpu.memory_space<hbm>> -> memref<20000x128xf32, #tpu.memory_space<hbm>>
    tpu.wait_indirect_dma semaphore(%arg13 : memref<!tpu.dma_semaphore, #tpu.memory_space<semaphore_mem>>) src(%dma_wait3A_43 : memref<20000x128xf32, #tpu.memory_space<hbm>>) dst(%arg9 : memref<80x128xf32, #tpu.memory_space<vmem>>)
    %run_scoped3A_44 = arith.constant 124 : i32
    "tpu.region"() ({
      %run_scoped3A_50 = tpu.sem_alloc : memref<!tpu.dma_semaphore, #tpu.memory_space<semaphore_mem>>
      %dma_start3A_51 = arith.constant 0 : i32
      %dma_start3A_52 = tpu.memref_slice %arg7[%run_scoped3A_44, %dma_start3A_51] : memref<125x80xi32, #tpu.memory_space<vmem>> -> memref<1x80xi32, #tpu.memory_space<vmem>>
      %dma_start3A_53 = tpu.memref_squeeze %dma_start3A_52 : memref<1x80xi32, #tpu.memory_space<vmem>> -> memref<80xi32, #tpu.memory_space<vmem>>
      %dma_start3A_54 = arith.constant 0 : i32
      %dma_start3A_55 = arith.constant 0 : i32
      %dma_start3A_56 = tpu.memref_slice %arg11[%dma_start3A_54, %dma_start3A_55] : memref<10000x128xf32, #tpu.memory_space<vmem_shared>> -> memref<10000x128xf32, #tpu.memory_space<vmem_shared>>
      tpu.enqueue_indirect_dma source(%arg9 : memref<80x128xf32, #tpu.memory_space<vmem>>) target(%dma_start3A_56 : memref<10000x128xf32, #tpu.memory_space<vmem_shared>>) offsets(%dma_start3A_53 : memref<80xi32, #tpu.memory_space<vmem>>) semaphore(%run_scoped3A_50 : memref<!tpu.dma_semaphore, #tpu.memory_space<semaphore_mem>>) {add = true}
      %dma_wait3A_57 = arith.constant 0 : i32
      %dma_wait3A_58 = tpu.memref_slice %arg7[%run_scoped3A_44, %dma_wait3A_57] : memref<125x80xi32, #tpu.memory_space<vmem>> -> memref<1x80xi32, #tpu.memory_space<vmem>>
      %dma_wait3A_59 = tpu.memref_squeeze %dma_wait3A_58 : memref<1x80xi32, #tpu.memory_space<vmem>> -> memref<80xi32, #tpu.memory_space<vmem>>
      %dma_wait3A_60 = arith.constant 0 : i32
      %dma_wait3A_61 = arith.constant 0 : i32
      %dma_wait3A_62 = tpu.memref_slice %arg11[%dma_wait3A_60, %dma_wait3A_61] : memref<10000x128xf32, #tpu.memory_space<vmem_shared>> -> memref<10000x128xf32, #tpu.memory_space<vmem_shared>>
      tpu.wait_indirect_dma semaphore(%run_scoped3A_50 : memref<!tpu.dma_semaphore, #tpu.memory_space<semaphore_mem>>) src(%arg9 : memref<80x128xf32, #tpu.memory_space<vmem>>) dst(%dma_wait3A_62 : memref<10000x128xf32, #tpu.memory_space<vmem_shared>>)
      tpu.yield
    }) : () -> ()
    %barrier3A_45 = arith.constant 0 : index
    tpu.barrier barrier_id(%barrier3A_45)
    %mul3A_46 = arith.constant 625 : i32
    %mul3A_47 = arith.muli %arg1, %mul3A_46 : i32
    %mul3A_48 = arith.constant 625 : i32
    %mul3A_49 = arith.muli %arg1, %mul3A_48 : i32
    "tpu.region"() ({
      %run_scoped3A_50 = tpu.sem_alloc : memref<!tpu.dma_semaphore, #tpu.memory_space<semaphore_mem>>
      %dma_start3A_51 = arith.constant 0 : i32
      %dma_start3A_52 = tpu.memref_slice %arg5[%arg0, %mul3A_49, %dma_start3A_51] : memref<2x10000x128xf32, #tpu.memory_space<hbm>> -> memref<1x625x128xf32, #tpu.memory_space<hbm>>
      %dma_start3A_53 = tpu.memref_squeeze %dma_start3A_52 : memref<1x625x128xf32, #tpu.memory_space<hbm>> -> memref<625x128xf32, #tpu.memory_space<hbm>>
      %dma_start3A_54 = arith.constant 0 : i32
      %dma_start3A_55 = tpu.memref_slice %arg11[%mul3A_47, %dma_start3A_54] : memref<10000x128xf32, #tpu.memory_space<vmem_shared>> -> memref<625x128xf32, #tpu.memory_space<vmem_shared>>
      tpu.enqueue_dma source(%dma_start3A_55 : memref<625x128xf32, #tpu.memory_space<vmem_shared>>) target(%dma_start3A_53 : memref<625x128xf32, #tpu.memory_space<hbm>>) target_semaphore(%run_scoped3A_50 : memref<!tpu.dma_semaphore, #tpu.memory_space<semaphore_mem>>)
      %dma_wait3A_56 = arith.constant 0 : i32
      %dma_wait3A_57 = tpu.memref_slice %arg5[%arg0, %mul3A_49, %dma_wait3A_56] : memref<2x10000x128xf32, #tpu.memory_space<hbm>> -> memref<1x625x128xf32, #tpu.memory_space<hbm>>
      %dma_wait3A_58 = tpu.memref_squeeze %dma_wait3A_57 : memref<1x625x128xf32, #tpu.memory_space<hbm>> -> memref<625x128xf32, #tpu.memory_space<hbm>>
      %dma_wait3A_59 = arith.constant 0 : i32
      %dma_wait3A_60 = tpu.memref_slice %arg11[%mul3A_47, %dma_wait3A_59] : memref<10000x128xf32, #tpu.memory_space<vmem_shared>> -> memref<625x128xf32, #tpu.memory_space<vmem_shared>>
      tpu.wait_dma2 semaphore(%run_scoped3A_50 : memref<!tpu.dma_semaphore, #tpu.memory_space<semaphore_mem>>) src(%dma_wait3A_60 : memref<625x128xf32, #tpu.memory_space<vmem_shared>>) dst(%dma_wait3A_58 : memref<625x128xf32, #tpu.memory_space<hbm>>)
      tpu.yield
    }) : () -> ()
    return
  }
}

module attributes {stable_mosaic.version = 14 : i64} {
  func.func @_k1b_body(%arg0: i32, %arg1: memref<1000x256xf32, #tpu.memory_space<vmem>>, %arg2: memref<2x1000x16xf32, #tpu.memory_space<vmem>>, %arg3: memref<2x1000x128xf32, #tpu.memory_space<vmem>>) attributes {dimension_semantics = [#tpu.dimension_semantics<arbitrary>], iteration_bounds = array<i64: 10>, scalar_prefetch = 0 : i64, scratch_operands = 0 : i64, tpu.core_type = #tpu.core_type<tc>, window_params = [{transform_indices = @transform_0, window_bounds = array<i64: 1000, 256>}, {transform_indices = @transform_1, window_bounds = array<i64: 2, 1000, 16>}, {transform_indices = @transform_2, window_bounds = array<i64: 2, 1000, 128>}]} {
    %get3A = arith.constant 0 : index
    %get3A_0 = arith.constant 0 : index
    %get3A_1 = vector.load %arg1[%get3A, %get3A_0] : memref<1000x256xf32, #tpu.memory_space<vmem>>, vector<1000x256xf32>
    %get3A_2 = arith.constant 0 : index
    %get3A_3 = arith.constant 0 : index
    %get3A_4 = arith.constant 0 : index
    %get3A_5 = vector.load %arg2[%get3A_2, %get3A_3, %get3A_4] : memref<2x1000x16xf32, #tpu.memory_space<vmem>>, vector<1x1000x1xf32>
    %get3A_6 = vector.shape_cast %get3A_5 : vector<1x1000x1xf32> to vector<1000xf32>
    %add3A = arith.constant 1.000000e+00 : f32
    %add3A_7 = vector.broadcast %add3A : f32 to vector<1000xf32>
    %add3A_8 = arith.addf %add3A_7, %get3A_6 : vector<1000xf32>
    %get3A_9 = arith.constant 1 : index
    %get3A_10 = arith.constant 0 : index
    %get3A_11 = arith.constant 0 : index
    %get3A_12 = vector.load %arg2[%get3A_9, %get3A_10, %get3A_11] : memref<2x1000x16xf32, #tpu.memory_space<vmem>>, vector<1x1000x1xf32>
    %get3A_13 = vector.shape_cast %get3A_12 : vector<1x1000x1xf32> to vector<1000xf32>
    %add3A_14 = arith.addf %add3A_8, %get3A_13 : vector<1000xf32>
    %rsqrt3A = math.rsqrt %add3A_14 : vector<1000xf32>
    %broadcast_in_dim3A = vector.shape_cast %rsqrt3A : vector<1000xf32> to vector<1000x1xf32>
    %mul3A = vector.broadcast %broadcast_in_dim3A : vector<1000x1xf32> to vector<1000x256xf32>
    %mul3A_15 = arith.mulf %get3A_1, %mul3A : vector<1000x256xf32>
    %slice3A = vector.extract_strided_slice %mul3A_15 {offsets = [0, 0], sizes = [1000, 128], strides = [1, 1]} : vector<1000x256xf32> to vector<1000x128xf32>
    %swap3A = arith.constant 0 : index
    %swap3A_16 = arith.constant 0 : index
    %swap3A_17 = arith.constant 0 : index
    %swap3A_18 = vector.load %arg3[%swap3A, %swap3A_16, %swap3A_17] : memref<2x1000x128xf32, #tpu.memory_space<vmem>>, vector<1x1000x128xf32>
    %swap3A_19 = vector.shape_cast %swap3A_18 : vector<1x1000x128xf32> to vector<1000x128xf32>
    %swap3A_20 = vector.shape_cast %slice3A : vector<1000x128xf32> to vector<1x1000x128xf32>
    tpu.vector_store %arg3[%swap3A, %swap3A_16, %swap3A_17], %swap3A_20 {strides = array<i32>} : memref<2x1000x128xf32, #tpu.memory_space<vmem>>, vector<1x1000x128xf32>,
    %slice3A_21 = vector.extract_strided_slice %mul3A_15 {offsets = [0, 128], sizes = [1000, 128], strides = [1, 1]} : vector<1000x256xf32> to vector<1000x128xf32>
    %swap3A_22 = arith.constant 1 : index
    %swap3A_23 = arith.constant 0 : index
    %swap3A_24 = arith.constant 0 : index
    %swap3A_25 = vector.load %arg3[%swap3A_22, %swap3A_23, %swap3A_24] : memref<2x1000x128xf32, #tpu.memory_space<vmem>>, vector<1x1000x128xf32>
    %swap3A_26 = vector.shape_cast %swap3A_25 : vector<1x1000x128xf32> to vector<1000x128xf32>
    %swap3A_27 = vector.shape_cast %slice3A_21 : vector<1000x128xf32> to vector<1x1000x128xf32>
    tpu.vector_store %arg3[%swap3A_22, %swap3A_23, %swap3A_24], %swap3A_27 {strides = array<i32>} : memref<2x1000x128xf32, #tpu.memory_space<vmem>>, vector<1x1000x128xf32>,
    return
  }
  func.func @transform_0(%arg0: i32) -> (i32, i32) {
    %c0_i32 = arith.constant 0 : i32
    %c0_i32_0 = arith.constant 0 : i32
    return %arg0, %c0_i32 : i32, i32
  }
  func.func @transform_1(%arg0: i32) -> (i32, i32, i32) {
    %c0_i32 = arith.constant 0 : i32
    %c0_i32_0 = arith.constant 0 : i32
    %c0_i32_1 = arith.constant 0 : i32
    return %c0_i32, %arg0, %c0_i32_0 : i32, i32, i32
  }
  func.func @transform_2(%arg0: i32) -> (i32, i32, i32) {
    %c0_i32 = arith.constant 0 : i32
    %c0_i32_0 = arith.constant 0 : i32
    %c0_i32_1 = arith.constant 0 : i32
    return %c0_i32, %arg0, %c0_i32_0 : i32, i32, i32
  }
}

module attributes {stable_mosaic.version = 14 : i64} {
  func.func @_k1a_body(%arg0: i32, %arg1: memref<1000x256xf32, #tpu.memory_space<vmem>>, %arg2: memref<256x256xf32, #tpu.memory_space<vmem>>, %arg3: memref<1000x256xf32, #tpu.memory_space<vmem>>) attributes {dimension_semantics = [#tpu.dimension_semantics<arbitrary>], iteration_bounds = array<i64: 10>, scalar_prefetch = 0 : i64, scratch_operands = 0 : i64, tpu.core_type = #tpu.core_type<tc>, window_params = [{transform_indices = @transform_0, window_bounds = array<i64: 1000, 256>}, {pipeline_mode = #tpu.pipeline_mode<synchronous>, transform_indices = @transform_1, window_bounds = array<i64: 256, 256>}, {transform_indices = @transform_2, window_bounds = array<i64: 1000, 256>}]} {
    %get3A = arith.constant 0 : index
    %get3A_0 = arith.constant 0 : index
    %get3A_1 = vector.load %arg1[%get3A, %get3A_0] : memref<1000x256xf32, #tpu.memory_space<vmem>>, vector<1000x256xf32>
    %get3A_2 = arith.constant 0 : index
    %get3A_3 = arith.constant 0 : index
    %get3A_4 = vector.load %arg2[%get3A_2, %get3A_3] : memref<256x256xf32, #tpu.memory_space<vmem>>, vector<256x256xf32>
    %dot_general3A = arith.constant dense<0.000000e+00> : vector<1000x256xf32>
    %dot_general3A_5 = tpu.matmul %get3A_1, %get3A_4, %dot_general3A {dimension_numbers = #tpu.dot_dimension_numbers<[1], [0], [0], [1], [0, 0, 1, 1], [], []>, transpose_lhs_hint = false} : vector<1000x256xf32>, vector<256x256xf32>, vector<1000x256xf32> -> vector<1000x256xf32>
    %swap3A = arith.constant 0 : index
    %swap3A_6 = arith.constant 0 : index
    %swap3A_7 = vector.load %arg3[%swap3A, %swap3A_6] : memref<1000x256xf32, #tpu.memory_space<vmem>>, vector<1000x256xf32>
    tpu.vector_store %arg3[%swap3A, %swap3A_6], %dot_general3A_5 {strides = array<i32>} : memref<1000x256xf32, #tpu.memory_space<vmem>>, vector<1000x256xf32>,
    return
  }
  func.func @transform_0(%arg0: i32) -> (i32, i32) {
    %c0_i32 = arith.constant 0 : i32
    %c0_i32_0 = arith.constant 0 : i32
    return %arg0, %c0_i32 : i32, i32
  }
  func.func @transform_1(%arg0: i32) -> (i32, i32) {
    %c0_i32 = arith.constant 0 : i32
    %c0_i32_0 = arith.constant 0 : i32
    %c0_i32_1 = arith.constant 0 : i32
    return %c0_i32, %c0_i32_0 : i32, i32
  }
  func.func @transform_2(%arg0: i32) -> (i32, i32) {
    %c0_i32 = arith.constant 0 : i32
    %c0_i32_0 = arith.constant 0 : i32
    return %arg0, %c0_i32 : i32, i32
  }
}

module attributes {stable_mosaic.version = 14 : i64} {
  func.func @_k2_body(%arg0: i32, %arg1: memref<2x1000x128xf32, #tpu.memory_space<vmem>>, %arg2: memref<2x1000x16xf32, #tpu.memory_space<vmem>>, %arg3: memref<1x256xf32, #tpu.memory_space<vmem>>, %arg4: memref<256x256xf32, #tpu.memory_space<vmem>>, %arg5: memref<2x1000x128xf32, #tpu.memory_space<vmem>>) attributes {dimension_semantics = [#tpu.dimension_semantics<arbitrary>], iteration_bounds = array<i64: 10>, scalar_prefetch = 0 : i64, scratch_operands = 0 : i64, tpu.core_type = #tpu.core_type<tc>, window_params = [{transform_indices = @transform_0, window_bounds = array<i64: 2, 1000, 128>}, {transform_indices = @transform_1, window_bounds = array<i64: 2, 1000, 16>}, {pipeline_mode = #tpu.pipeline_mode<synchronous>, transform_indices = @transform_2, window_bounds = array<i64: 1, 256>}, {pipeline_mode = #tpu.pipeline_mode<synchronous>, transform_indices = @transform_3, window_bounds = array<i64: 256, 256>}, {transform_indices = @transform_4, window_bounds = array<i64: 2, 1000, 128>}]} {
    %get3A = arith.constant 0 : index
    %get3A_0 = arith.constant 0 : index
    %get3A_1 = arith.constant 0 : index
    %get3A_2 = vector.load %arg2[%get3A, %get3A_0, %get3A_1] : memref<2x1000x16xf32, #tpu.memory_space<vmem>>, vector<1x1000x1xf32>
    %get3A_3 = vector.shape_cast %get3A_2 : vector<1x1000x1xf32> to vector<1000xf32>
    %add3A = arith.constant 1.000000e+00 : f32
    %add3A_4 = vector.broadcast %add3A : f32 to vector<1000xf32>
    %add3A_5 = arith.addf %add3A_4, %get3A_3 : vector<1000xf32>
    %get3A_6 = arith.constant 1 : index
    %get3A_7 = arith.constant 0 : index
    %get3A_8 = arith.constant 0 : index
    %get3A_9 = vector.load %arg2[%get3A_6, %get3A_7, %get3A_8] : memref<2x1000x16xf32, #tpu.memory_space<vmem>>, vector<1x1000x1xf32>
    %get3A_10 = vector.shape_cast %get3A_9 : vector<1x1000x1xf32> to vector<1000xf32>
    %add3A_11 = arith.addf %add3A_5, %get3A_10 : vector<1000xf32>
    %rsqrt3A = math.rsqrt %add3A_11 : vector<1000xf32>
    %broadcast_in_dim3A = vector.shape_cast %rsqrt3A : vector<1000xf32> to vector<1000x1xf32>
    %get3A_12 = arith.constant 0 : index
    %get3A_13 = arith.constant 0 : index
    %get3A_14 = arith.constant 0 : index
    %get3A_15 = vector.load %arg1[%get3A_12, %get3A_13, %get3A_14] : memref<2x1000x128xf32, #tpu.memory_space<vmem>>, vector<1x1000x128xf32>
    %get3A_16 = vector.shape_cast %get3A_15 : vector<1x1000x128xf32> to vector<1000x128xf32>
    %get3A_17 = arith.constant 1 : index
    %get3A_18 = arith.constant 0 : index
    %get3A_19 = arith.constant 0 : index
    %get3A_20 = vector.load %arg1[%get3A_17, %get3A_18, %get3A_19] : memref<2x1000x128xf32, #tpu.memory_space<vmem>>, vector<1x1000x128xf32>
    %get3A_21 = vector.shape_cast %get3A_20 : vector<1x1000x128xf32> to vector<1000x128xf32>
    %concatenate3A = tpu.concatenate %get3A_16, %get3A_21 in 1 : vector<1000x128xf32>, vector<1000x128xf32> -> vector<1000x256xf32>
    %mul3A = vector.broadcast %broadcast_in_dim3A : vector<1000x1xf32> to vector<1000x256xf32>
    %mul3A_22 = arith.mulf %concatenate3A, %mul3A : vector<1000x256xf32>
    %get3A_23 = arith.constant 0 : index
    %get3A_24 = arith.constant 0 : index
    %get3A_25 = vector.load %arg3[%get3A_23, %get3A_24] : memref<1x256xf32, #tpu.memory_space<vmem>>, vector<1x256xf32>
    %add3A_26 = vector.broadcast %get3A_25 : vector<1x256xf32> to vector<1000x256xf32>
    %add3A_27 = arith.addf %mul3A_22, %add3A_26 : vector<1000x256xf32>
    %max3A = arith.constant 0.000000e+00 : f32
    %max3A_28 = vector.broadcast %max3A : f32 to vector<1000x256xf32>
    %max3A_29 = arith.maximumf %add3A_27, %max3A_28 : vector<1000x256xf32>
    %get3A_30 = arith.constant 0 : index
    %get3A_31 = arith.constant 0 : index
    %get3A_32 = vector.load %arg4[%get3A_30, %get3A_31] : memref<256x256xf32, #tpu.memory_space<vmem>>, vector<256x256xf32>
    %dot_general3A = arith.constant dense<0.000000e+00> : vector<1000x256xf32>
    %dot_general3A_33 = tpu.matmul %max3A_29, %get3A_32, %dot_general3A {dimension_numbers = #tpu.dot_dimension_numbers<[1], [0], [0], [1], [0, 0, 1, 1], [], []>, transpose_lhs_hint = false} : vector<1000x256xf32>, vector<256x256xf32>, vector<1000x256xf32> -> vector<1000x256xf32>
    %mul3A_34 = vector.broadcast %broadcast_in_dim3A : vector<1000x1xf32> to vector<1000x256xf32>
    %mul3A_35 = arith.mulf %dot_general3A_33, %mul3A_34 : vector<1000x256xf32>
    %slice3A = vector.extract_strided_slice %mul3A_35 {offsets = [0, 0], sizes = [1000, 128], strides = [1, 1]} : vector<1000x256xf32> to vector<1000x128xf32>
    %swap3A = arith.constant 0 : index
    %swap3A_36 = arith.constant 0 : index
    %swap3A_37 = arith.constant 0 : index
    %swap3A_38 = vector.load %arg5[%swap3A, %swap3A_36, %swap3A_37] : memref<2x1000x128xf32, #tpu.memory_space<vmem>>, vector<1x1000x128xf32>
    %swap3A_39 = vector.shape_cast %swap3A_38 : vector<1x1000x128xf32> to vector<1000x128xf32>
    %swap3A_40 = vector.shape_cast %slice3A : vector<1000x128xf32> to vector<1x1000x128xf32>
    tpu.vector_store %arg5[%swap3A, %swap3A_36, %swap3A_37], %swap3A_40 {strides = array<i32>} : memref<2x1000x128xf32, #tpu.memory_space<vmem>>, vector<1x1000x128xf32>,
    %slice3A_41 = vector.extract_strided_slice %mul3A_35 {offsets = [0, 128], sizes = [1000, 128], strides = [1, 1]} : vector<1000x256xf32> to vector<1000x128xf32>
    %swap3A_42 = arith.constant 1 : index
    %swap3A_43 = arith.constant 0 : index
    %swap3A_44 = arith.constant 0 : index
    %swap3A_45 = vector.load %arg5[%swap3A_42, %swap3A_43, %swap3A_44] : memref<2x1000x128xf32, #tpu.memory_space<vmem>>, vector<1x1000x128xf32>
    %swap3A_46 = vector.shape_cast %swap3A_45 : vector<1x1000x128xf32> to vector<1000x128xf32>
    %swap3A_47 = vector.shape_cast %slice3A_41 : vector<1000x128xf32> to vector<1x1000x128xf32>
    tpu.vector_store %arg5[%swap3A_42, %swap3A_43, %swap3A_44], %swap3A_47 {strides = array<i32>} : memref<2x1000x128xf32, #tpu.memory_space<vmem>>, vector<1x1000x128xf32>,
    return
  }
  func.func @transform_0(%arg0: i32) -> (i32, i32, i32) {
    %c0_i32 = arith.constant 0 : i32
    %c0_i32_0 = arith.constant 0 : i32
    %c0_i32_1 = arith.constant 0 : i32
    return %c0_i32, %arg0, %c0_i32_0 : i32, i32, i32
  }
  func.func @transform_1(%arg0: i32) -> (i32, i32, i32) {
    %c0_i32 = arith.constant 0 : i32
    %c0_i32_0 = arith.constant 0 : i32
    %c0_i32_1 = arith.constant 0 : i32
    return %c0_i32, %arg0, %c0_i32_0 : i32, i32, i32
  }
  func.func @transform_2(%arg0: i32) -> (i32, i32) {
    %c0_i32 = arith.constant 0 : i32
    %c0_i32_0 = arith.constant 0 : i32
    %c0_i32_1 = arith.constant 0 : i32
    return %c0_i32, %c0_i32_0 : i32, i32
  }
  func.func @transform_3(%arg0: i32) -> (i32, i32) {
    %c0_i32 = arith.constant 0 : i32
    %c0_i32_0 = arith.constant 0 : i32
    %c0_i32_1 = arith.constant 0 : i32
    return %c0_i32, %c0_i32_0 : i32, i32
  }
  func.func @transform_4(%arg0: i32) -> (i32, i32, i32) {
    %c0_i32 = arith.constant 0 : i32
    %c0_i32_0 = arith.constant 0 : i32
    %c0_i32_1 = arith.constant 0 : i32
    return %c0_i32, %arg0, %c0_i32_0 : i32, i32, i32
  }
}

module attributes {stable_mosaic.version = 14 : i64} {
  func.func @_k3_body(%arg0: i32, %arg1: memref<2x1000x128xf32, #tpu.memory_space<vmem>>, %arg2: memref<2x1000x16xf32, #tpu.memory_space<vmem>>, %arg3: memref<1x256xf32, #tpu.memory_space<vmem>>, %arg4: memref<1000x256xf32, #tpu.memory_space<vmem>>) attributes {dimension_semantics = [#tpu.dimension_semantics<arbitrary>], iteration_bounds = array<i64: 10>, scalar_prefetch = 0 : i64, scratch_operands = 0 : i64, tpu.core_type = #tpu.core_type<tc>, window_params = [{transform_indices = @transform_0, window_bounds = array<i64: 2, 1000, 128>}, {transform_indices = @transform_1, window_bounds = array<i64: 2, 1000, 16>}, {pipeline_mode = #tpu.pipeline_mode<synchronous>, transform_indices = @transform_2, window_bounds = array<i64: 1, 256>}, {transform_indices = @transform_3, window_bounds = array<i64: 1000, 256>}]} {
    %get3A = arith.constant 0 : index
    %get3A_0 = arith.constant 0 : index
    %get3A_1 = arith.constant 0 : index
    %get3A_2 = vector.load %arg2[%get3A, %get3A_0, %get3A_1] : memref<2x1000x16xf32, #tpu.memory_space<vmem>>, vector<1x1000x1xf32>
    %get3A_3 = vector.shape_cast %get3A_2 : vector<1x1000x1xf32> to vector<1000xf32>
    %add3A = arith.constant 1.000000e+00 : f32
    %add3A_4 = vector.broadcast %add3A : f32 to vector<1000xf32>
    %add3A_5 = arith.addf %add3A_4, %get3A_3 : vector<1000xf32>
    %get3A_6 = arith.constant 1 : index
    %get3A_7 = arith.constant 0 : index
    %get3A_8 = arith.constant 0 : index
    %get3A_9 = vector.load %arg2[%get3A_6, %get3A_7, %get3A_8] : memref<2x1000x16xf32, #tpu.memory_space<vmem>>, vector<1x1000x1xf32>
    %get3A_10 = vector.shape_cast %get3A_9 : vector<1x1000x1xf32> to vector<1000xf32>
    %add3A_11 = arith.addf %add3A_5, %get3A_10 : vector<1000xf32>
    %rsqrt3A = math.rsqrt %add3A_11 : vector<1000xf32>
    %broadcast_in_dim3A = vector.shape_cast %rsqrt3A : vector<1000xf32> to vector<1000x1xf32>
    %get3A_12 = arith.constant 0 : index
    %get3A_13 = arith.constant 0 : index
    %get3A_14 = arith.constant 0 : index
    %get3A_15 = vector.load %arg1[%get3A_12, %get3A_13, %get3A_14] : memref<2x1000x128xf32, #tpu.memory_space<vmem>>, vector<1x1000x128xf32>
    %get3A_16 = vector.shape_cast %get3A_15 : vector<1x1000x128xf32> to vector<1000x128xf32>
    %get3A_17 = arith.constant 1 : index
    %get3A_18 = arith.constant 0 : index
    %get3A_19 = arith.constant 0 : index
    %get3A_20 = vector.load %arg1[%get3A_17, %get3A_18, %get3A_19] : memref<2x1000x128xf32, #tpu.memory_space<vmem>>, vector<1x1000x128xf32>
    %get3A_21 = vector.shape_cast %get3A_20 : vector<1x1000x128xf32> to vector<1000x128xf32>
    %concatenate3A = tpu.concatenate %get3A_16, %get3A_21 in 1 : vector<1000x128xf32>, vector<1000x128xf32> -> vector<1000x256xf32>
    %mul3A = vector.broadcast %broadcast_in_dim3A : vector<1000x1xf32> to vector<1000x256xf32>
    %mul3A_22 = arith.mulf %concatenate3A, %mul3A : vector<1000x256xf32>
    %get3A_23 = arith.constant 0 : index
    %get3A_24 = arith.constant 0 : index
    %get3A_25 = vector.load %arg3[%get3A_23, %get3A_24] : memref<1x256xf32, #tpu.memory_space<vmem>>, vector<1x256xf32>
    %add3A_26 = vector.broadcast %get3A_25 : vector<1x256xf32> to vector<1000x256xf32>
    %add3A_27 = arith.addf %mul3A_22, %add3A_26 : vector<1000x256xf32>
    %swap3A = arith.constant 0 : index
    %swap3A_28 = arith.constant 0 : index
    %swap3A_29 = vector.load %arg4[%swap3A, %swap3A_28] : memref<1000x256xf32, #tpu.memory_space<vmem>>, vector<1000x256xf32>
    tpu.vector_store %arg4[%swap3A, %swap3A_28], %add3A_27 {strides = array<i32>} : memref<1000x256xf32, #tpu.memory_space<vmem>>, vector<1000x256xf32>,
    return
  }
  func.func @transform_0(%arg0: i32) -> (i32, i32, i32) {
    %c0_i32 = arith.constant 0 : i32
    %c0_i32_0 = arith.constant 0 : i32
    %c0_i32_1 = arith.constant 0 : i32
    return %c0_i32, %arg0, %c0_i32_0 : i32, i32, i32
  }
  func.func @transform_1(%arg0: i32) -> (i32, i32, i32) {
    %c0_i32 = arith.constant 0 : i32
    %c0_i32_0 = arith.constant 0 : i32
    %c0_i32_1 = arith.constant 0 : i32
    return %c0_i32, %arg0, %c0_i32_0 : i32, i32, i32
  }
  func.func @transform_2(%arg0: i32) -> (i32, i32) {
    %c0_i32 = arith.constant 0 : i32
    %c0_i32_0 = arith.constant 0 : i32
    %c0_i32_1 = arith.constant 0 : i32
    return %c0_i32, %c0_i32_0 : i32, i32
  }
  func.func @transform_3(%arg0: i32) -> (i32, i32) {
    %c0_i32 = arith.constant 0 : i32
    %c0_i32_0 = arith.constant 0 : i32
    return %arg0, %c0_i32 : i32, i32
  }
}

</mosaic_0001>

<sc_bundles>
// kernel: kernel.12.cloned.1.call-start
scs
__scs_entry_jumppad:
0x0: {  	(pc) =	sbr.rel $0x88, $3  }
0x1: {  	(tag) =	ssettag $0x0;
	lr =	simm.s32 $0x1  }
0x2: {  	[smem:$0x3F9B] =	sst lr;
	_ =	strace $0xD0000000  }
0x3: {  	_ = 	snop  }
0x4: {  	_ = 	snop  }
0x5: {  	_ = 	snop  }
0x6: {  	_ = 	snop  }
0x7: {  	_ = 	snop  }
__scs_overlays_trampoline_lowered:
0x8: {  	[smem:$0x3FAA] =	sst s0  }
0x9: {  	[smem:$0x3FAB] =	sst s1  }
0xa: {  	[smem:$0x3FAC] =	sst s2  }
0xb: {  	[smem:$0x3FAD] =	sst s3  }
0xc: {  	[smem:$0x3FAE] =	sst s4  }
0xd: {  	[smem:$0x3FAF] =	sst s5  }
0xe: {  	[smem:$0x3FB0] =	sst s6  }
0xf: {  	[smem:$0x3FB1] =	sst s7  }
0x10: {  	[smem:$0x3FB2] =	sst s8  }
0x11: {  	[smem:$0x3FB3] =	sst s9;
	s0 =	simm.s32 @!p0 $0x0  }
0x12: {  	s1 =	sld [smem:$0x3F99];
	s0 =	simm.s32 @p0 $0x1  }
0x13: {  	[smem:$0x3FB4] =	sst s0;
	s0 =	simm.s32 @!p1 $0x0  }
0x14: {  	s2 =	sld [smem:$0x3F98];
	s0 =	simm.s32 @p1 $0x1  }
0x15: {  	[smem:$0x3FB5] =	sst s0;
	s0 =	simm.s32 @!p2 $0x0  }
0x16: {  	s3 =	sld [smem:$0x3FDB];
	s0 =	simm.s32 @p2 $0x1  }
0x17: {  	s4 =	simm.s32 $0x1BF5;
	[smem:$0x3FB7] =	sst s0  }
0x18: {  	s0 =	sld [smem:$0x3F9A];
	_ =	swait.ge [sflag:s4], $0x0  }
0x19: {  	s7 =	sld [smem:$0x3F9B]  }
0x1a: {  	s8 =	sadd.s32 $0xFFFFE003, lr  }
0x1b: {  	s9 =	sadd.s32 $0xFFFFFEF7, lr;
	s5 =	simm.s32 $0xFFFFFFFF;
	p2 =	slt.u32 s8, $0xFFFFF086  }
0x1c: {  	p1 =	slt.u32 s9, $0xF7A;
	s5 =	simm.s32 @!p2 $0x0  }
0x1d: {  	s5 =	simm.s32 @p1 $0x1;
	p0 =	seq.s32 s7, s2  }
0x1e: {  	s7 =	smul.u32 @!p0 $0xF7A, s2;
	p2 =	seq.s32 @!p0 s5, $0x0  }
0x1f: {  	s9 =	smul.u32 $0xF7A, s1;
	s8 =	simm.s32 @!p0 $0x1BF5;
	p2 =	por !p2, p0  }
0x20: {  	[sflag:s8] =	ssyncset.s32 @!p0 $0xFFFFF086;
	s6 =	sadd.s32 @!p0 s3, s7;
	s7 =	simm.s32 @!p0 $0x108  }
0x21: {  	s3 =	sadd.s32 s3, s9;
	s6 =	sadd.s32 @!p0 $0x88, s6;
	s7 =	simm.s32 @p2 $0x1082  }
0x22: {  	[simem:s7], [sflag:s8] =	dma.local @!p0 [hbm:s6], $0xF7A  }
0x23: {  	s9 =	sor.u32 $0xD0000000, s2;
	s6 =	simm.s32 $0x108;
	_ =	swait.ge @!p0 [sflag:s8], $0x0  }
0x24: {  	s3 =	sadd.s32 $0x88, s3;
	s6 =	simm.s32 @!p1 $0x1082;
	[sflag:s4] =	ssyncset.s32 $0xFFFFF086  }
0x25: {  	[simem:s6], [sflag:s4] =	dma.local [hbm:s3], $0xF7A  }
0x26: {  	[smem:$0x3F9B] =	sst s1;
	(tag) =	ssettag s2;
	_ =	strace s9  }
0x27: {  	s1 =	sld [smem:$0x3FAB]  }
0x28: {  	s2 =	sld [smem:$0x3FAC]  }
0x29: {  	s4 =	sld [smem:$0x3FAE]  }
0x2a: {  	p0 =	seq.s32 s5, $0x0;
	s5 =	sld [smem:$0x3FAF]  }
0x2b: {  	s6 =	sld [smem:$0x3FB0]  }
0x2c: {  	s7 =	sld [smem:$0x3FB1]  }
0x2d: {  	s3 =	simm.s32 $0x108;
	s8 =	sld [smem:$0x3FB2]  }
0x2e: {  	s3 =	simm.s32 @!p0 $0x1082;
	s9 =	sld [smem:$0x3FB3]  }
0x2f: {  	lr =	sadd.s32 s0, s3;
	s0 =	sld [smem:$0x3FAA]  }
0x30: {  	s3 =	sld [smem:$0x3FAD]  }
0x31: {  	[smem:$0x3FB6] =	sst s10  }
0x32: {  	s10 =	sld [smem:$0x3FB4];
	_ =	sdelay $0x3  }
0x33: {  	p0 =	seq.s32 s10, $0x1;
	s10 =	sld [smem:$0x3FB6];
	_ =	sdelay $0x3  }
0x34: {  	[smem:$0x3FB6] =	sst s10  }
0x35: {  	s10 =	sld [smem:$0x3FB5];
	_ =	sdelay $0x3  }
0x36: {  	p1 =	seq.s32 s10, $0x1;
	s10 =	sld [smem:$0x3FB6];
	_ =	sdelay $0x3  }
0x37: {  	[smem:$0x3FB6] =	sst s10  }
0x38: {  	s10 =	sld [smem:$0x3FB7]  }
0x39: {  	_ = 	snop;
	(pc) =	sbr.ind lr, $3  }
0x3a: {  	_ = 	snop  }
0x3b: {  	_ = 	snop  }
0x3c: {  	p2 =	seq.s32 s10, $0x1;
	s10 =	sld [smem:$0x3FB6]  }
0x3d: {  	_ =	shalt  }
0x3e: {  	_ =	shalt  }
0x3f: {  	_ =	shalt  }
0x40: {  	_ =	shalt  }
0x41: {  	_ =	shalt  }
0x42: {  	_ =	shalt  }
0x43: {  	_ =	shalt  }
0x44: {  	_ =	shalt  }
0x45: {  	_ =	shalt  }
0x46: {  	_ =	shalt  }
0x47: {  	_ =	shalt  }
0x48: {  	_ =	shalt  }
0x49: {  	_ =	shalt  }
0x4a: {  	_ =	shalt  }
0x4b: {  	_ =	shalt  }
0x4c: {  	_ =	shalt  }
0x4d: {  	_ =	shalt  }
0x4e: {  	_ =	shalt  }
0x4f: {  	_ =	shalt  }
0x50: {  	_ =	shalt  }
0x51: {  	_ =	shalt  }
0x52: {  	_ =	shalt  }
0x53: {  	_ =	shalt  }
0x54: {  	_ =	shalt  }
0x55: {  	_ =	shalt  }
0x56: {  	_ =	shalt  }
0x57: {  	_ =	shalt  }
0x58: {  	_ =	shalt  }
0x59: {  	_ =	shalt  }
0x5a: {  	_ =	shalt  }
0x5b: {  	_ =	shalt  }
0x5c: {  	_ =	shalt  }
0x5d: {  	_ =	shalt  }
0x5e: {  	_ =	shalt  }
0x5f: {  	_ =	shalt  }
0x60: {  	_ =	shalt  }
0x61: {  	_ =	shalt  }
0x62: {  	_ =	shalt  }
0x63: {  	_ =	shalt  }
0x64: {  	_ =	shalt  }
0x65: {  	_ =	shalt  }
0x66: {  	_ =	shalt  }
0x67: {  	_ =	shalt  }
0x68: {  	_ =	shalt  }
0x69: {  	_ =	shalt  }
0x6a: {  	_ =	shalt  }
0x6b: {  	_ =	shalt  }
0x6c: {  	_ =	shalt  }
0x6d: {  	_ =	shalt  }
0x6e: {  	_ =	shalt  }
0x6f: {  	_ =	shalt  }
0x70: {  	_ =	shalt  }
0x71: {  	_ =	shalt  }
0x72: {  	_ =	shalt  }
0x73: {  	_ =	shalt  }
0x74: {  	_ =	shalt  }
0x75: {  	_ =	shalt  }
0x76: {  	_ =	shalt  }
0x77: {  	_ =	shalt  }
0x78: {  	_ =	shalt  }
0x79: {  	_ =	shalt  }
0x7a: {  	_ =	shalt  }
0x7b: {  	_ =	shalt  }
0x7c: {  	_ =	shalt  }
0x7d: {  	_ =	shalt  }
0x7e: {  	_ =	shalt  }
0x7f: {  	_ =	shalt  }
0x80: {  	_ =	shalt  }
0x81: {  	_ =	shalt  }
0x82: {  	_ =	shalt  }
0x83: {  	_ =	shalt  }
0x84: {  	_ =	shalt  }
0x85: {  	_ =	shalt  }
0x86: {  	_ =	shalt  }
0x87: {  	_ =	shalt  }
.Lfunc_end0:
.L_simem_size_0:
called_computation.1_lowered:
.L_overlay_start_0:
0x88: {  	s2 =	sld [smem:$0x3FD9]  }
0x89: {  	s3 =	sld [smem:$0x3FFE];
	_ =	sdelay $0x1  }
0x8a: {  	s1 =	srdreg.scid  }
0x8b: {  	s0 =	sand.u32 $0x1, s1  }
0x8c: {  	s16 =	sshll.u32 s0, $0xA;
	s2 =	sadd.s32 s3, s2  }
0x8d: {  	s2 =	sadd.s32 s2, s16  }
0x8e: {  	[smem:$0x3FC2] =	sst s2  }
0x8f: {  	_ = 	snop  }
0x90: {  	(tm) =	ssettm $0x1  }
0x91: {  	s17 =	sld [smem:$0x3FFB];
	_ =	sdelay $0x3  }
0x92: {  	_ =	strace s17  }
0x93: {  	s2 =	sld [smem:$0x3FFC];
	_ =	sdelay $0x3  }
0x94: {  	_ =	strace s2  }
0x95: {  	s2 =	sld [smem:$0x3FFD];
	_ =	sdelay $0x3  }
0x96: {  	_ =	strace s2  }
0x97: {  	_ =	strace $0x8FFFFFFF  }
0x98: {  	s18 =	sld [smem:$0x3FDB];
	_ =	sdelay $0x1  }
0x99: {  	s19 =	simm.s32 $_scs_section_size  }
0x9a: {  	s4 =	simm.s32 $_size__tile_overlayer_lowered;
	s5 =	simm.s32 $_tile_overlayer_lowered  }
0x9b: {  	s22 =	simm.s32 $0x1BFF;
	s21 =	sshll.u32 s5, $0x1;
	s2 =	sadd.s32 s19, s18  }
0x9c: {  	s6 =	simm.s32 $0x0;
	s20 =	sshll.u32 s4, $0x1;
	s4 =	sadd.s32 s21, s2  }
0x9d: {  	[timem:s6], [sflag:s22] =	dma.local [hbm:s4], s20  }
0x9e: {  	_ =	swait.ge [sflag:s22], s20  }
0x9f: {  	s3 =	ssub.s32 $0x0, s20;
	[sflag:s22] =	ssyncset.done $0x0  }
0xa0: {  	[sflag:s22] =	ssyncadd.s32 s3;
	_ =	sdelay $0x1  }
0xa1: {  	s23 =	simm.s32 $0x1B8B  }
0xa2: {  	_ =	swait.ge [sflag:s23], $0x1  }
0xa3: {  	[sflag:s23] =	ssyncset.done $0x0  }
0xa4: {  	s25 =	simm.s32 $0x1B8E;
	s24 =	sld [smem:$0x3FFE];
	[sflag:s23] =	ssyncadd.s32 $0xFFFFFFFF  }
0xa5: {  	s26 =	simm.s32 $execute0_lowered;
	[smem:$0x3FD2] =	sst s25  }
0xa6: {  	s4 =	sshll.u32 s26, $0x1;
	_ =	strace $0x80000049;
	[dreg:$0x1] =	wrdreg $0xFFFFFFFF  }
0xa7: {  	s28 =	simm.s32 $_size_execute0_lowered;
	s2 =	sadd.s32 s2, s4;
	[dreg:$0x0] =	wrdreg $0x0  }
0xa8: {  	s4 =	sshll.u32 s28, $0x1;
	[dreg:$0x2] =	wrdreg s2  }
0xa9: {  	[dreg:$0x3] =	wrdreg s4  }
0xaa: {  	[dreg:$0x4] =	wrdreg $0xC0  }
0xab: {  	_ =	task [dreg:s6], $0x5FFFF  }
0xac: {  	[dreg:$0x1] =	wrdreg $0xFFFFFFFF  }
0xad: {  	[dreg:$0x0] =	wrdreg $0x60  }
0xae: {  	[dreg:$0x2] =	wrdreg s24  }
0xaf: {  	[dreg:$0x3] =	wrdreg $0xC6200  }
0xb0: {  	[dreg:$0x4] =	wrdreg $0x9  }
0xb1: {  	_ =	task.clear_ibuf [dreg:s6], $0x5FFFF;
	_ =	strace $0x90000049  }
0xb2: {  	s29 =	simm.s32 $0x9;
	_ =	strace $0x8000004B  }
0xb3: {  	_ =	swait.ge [sflag:s29], $0x1  }
0xb4: {  	[sflag:s29] =	ssyncadd.s32 $0xFFFFFFFF  }
0xb5: {  	_ =	strace $0x9000004B  }
0xb6: {  	_ =	sfence  }
0xb7: {  	s30 =	sld [smem:$0x0];
	_ =	sdelay $0x2  }
0xb8: {  	s31 =	sshll.u32 s1, $0xD;
	s1 =	sshrl.u32 s1, $0x2  }
0xb9: {  	s3 =	sand.u32 $0x4000, s31;
	s1 =	sadd.s32 s1, s30  }
0xba: {  	s0 =	sor.u32 s3, s0;
	s1 =	sshll.u32 s1, $0x11  }
0xbb: {  	s0 =	sor.u32 s1, s0  }
0xbc: {  	s0 =	sadd.s32 $0x8F2B, s0  }
0xbd: {  	[sflag:s0] =	ssyncadd.remote.s32 $0x1  }
0xbe: {  	_ =	sfence.sel $0xFFFF  }
0xbf: {  	[dreg:$0x0] =	wrdreg $0xFFFFFFFF;
	(pc) =	sbr.abs _section_cstart, $3  }
0xc0: {  	[dreg:$0x1] =	wrdreg $0xFFFFFFFF  }
0xc1: {  	_ =	task.clear_ibuf [dreg:s6], $0x2FFFF;
	_ =	strace $0x9FFFFFFF  }
0xc2: {  	(tm) =	ssettm $0x7FFFFFFF  }
0xc3: {  	_ =	shalt  }
tec
execute0_lowered:
.L_overlay_start_1:
0x0: {  	(tag) =	ssettag $0x1  }
0x1: {  	s5 =	rddreg [dreg:$0x0]  }
0x2: {  	s0 =	stileid.u32;
	s1 =	srdreg.scid  }
0x3: {  	s2 =	rddreg [dreg:$0x1];
	s3 =	simm.s32 $0x0;
	s15 =	simm.s32 $0x4E20  }
0x4: {  	s16 =	simm.s32 $0x7620;
	s17 =	simm.s32 $0x1;
	s18 =	simm.s32 $0x9E20  }
0x5: {  	s19 =	simm.s32 $0x2;
	s20 =	simm.s32 $0x3;
	s6 =	smul.u32 $0x4E2, s0  }
0x6: {  	s22 =	simm.s32 $0x4DD0;
	s23 =	simm.s32 $0x0;
	s8 =	smul.u32 $0x13880, s0  }
0x7: {  	s7 =	sand.u32 $0x1, s1;
	s1 =	rddreg [dreg:$0x2];
	s10 =	smul.u32 $0x271, s0  }
0x8: {  	[smem:$0x7FF] =	sst s3;
	s4 =	sadd.s32 $0xC200, s5;
	s9 =	smul.u32 $0x138800, s7  }
0x9: {  	s31 =	sshll.u32 s0, $0x6;
	s21 =	smul.u32 $0x2710, s7;
	s7 =	ssub.s32 $0x2, s7  }
0xa: {  	_ =	strace $0x8000004A;
	s11 =	sadd.s32 s6, s5;
	s29 =	sshrl.u32 s7, $0x1  }
0xb: {  	s14 =	sadd.s32 s8, s2;
	s28 =	sadd.s32 s8, s9;
	s10 =	sadd.s32 s10, s21  }
0xc: {  	s13 =	ssub.s32 s7, s29;
	s7 =	sadd.s32 $0x2200, s11;
	s8 =	sadd.s32 $0x7200, s11  }
0xd: {  	s11 =	sshrl.u32 s14, $0x3;
	s14 =	simm.s32 $0x50;
	v0 =	vmov s21;
	s21 =	simm.s32 $0x4D80  }
0xe: {  	s6 =	sshrl.u32 s28, $0x3;
	s30 =	sshll.u32 s10, $0x4;
	s10 =	smax.u32 s13, $0x1  }
0xf: {  	s13 =	simm.s32 $0x2710;
	s12 =	sadd.s32 s6, s5;
	s5 =	sadd.s32 s4, s30  }
0x10: {  	s6 =	sor.u32 $0x1C04, s31;
	s9 =	sadd.s32 $0x5A400, s12;
	s12 =	simm.s32 $0x4  }
.LBB2_1:
0x11: {  	[spmem:s11], [sflag:s6] =	dma.local [hbm:s5], $0x2710  }
0x12: {  	_ =	swait.ge [sflag:s12], $0x2710  }
0x13: {  	[sflag:s12] =	ssyncset.done $0x0  }
0x14: {  	[sflag:s12] =	ssyncadd.s32 $0xFFFFD8F0  }
0x15: {  	[tilespmem:s3], [sflag:$0x4] =	stream.linear.gather [hbm4b:s7+s3], $0x2710, $0x38;
	[tilespmem:$0x1FEA0] =	vst v63  }
0x16: {  	_ =	swait.ge [sflag:s12], $0x2710  }
0x17: {  	[sflag:s12] =	ssyncset.done $0x0  }
0x18: {  	[sflag:s12] =	ssyncadd.s32 $0xFFFFD8F0  }
0x19: {  	[tilespmem:s13], [sflag:$0x4] =	stream.linear.gather [hbm4b:s8+s3], $0x2710, $0x38;
	[tilespmem:$0x1FEA0] =	vst v63  }
0x1a: {  	_ =	swait.ge [sflag:s12], $0x2710  }
0x1b: {  	[sflag:s12] =	ssyncset.done $0x0  }
0x1c: {  	s24 =	simm.s32 $0x40;
	[sflag:s12] =	ssyncadd.s32 $0xFFFFD8F0  }
0x1d: {  	v1 =	vld [tilespmem:s24+$0xFFFFFFC0]  }
0x1e: {  	v2 =	vld [tilespmem:s24+$0xFFFFFFD0]  }
0x1f: {  	v3 =	vld [tilespmem:s24+$0xFFFFFFE0]  }
0x20: {  	v4 =	vld [tilespmem:s24+$0x0]  }
0x21: {  	v5 =	vld [tilespmem:s24+$0xFFFFFFF0]  }
0x22: {  	v1 =	vadd.s32 v0, v1  }
0x23: {  	s25 =	simm.s32 $0x90;
	v2 =	vadd.s32 v0, v2;
	[tilespmem:s24+$0xFFFFFFC0] =	vst v1  }
0x24: {  	v3 =	vadd.s32 v0, v3;
	v1 =	vld [tilespmem:s25+$0xFFFFFFC0];
	[tilespmem:s24+$0xFFFFFFD0] =	vst v2  }
0x25: {  	v6 =	vadd.s32 v0, v4;
	v2 =	vld [tilespmem:s25+$0xFFFFFFD0];
	[tilespmem:s24+$0xFFFFFFE0] =	vst v3  }
0x26: {  	s26 =	simm.s32 $0x380;
	v4 =	vadd.s32 v0, v5;
	v3 =	vld [tilespmem:s25+$0xFFFFFFE0];
	[tilespmem:s24+$0x0] =	vst v6  }
.LBB2_2:
0x27: {  	p0 =	sne.s32 s26, $0x9C00;
	v5 =	vld [tilespmem:s25+$0x0];
	[tilespmem:s24+$0xFFFFFFF0] =	vst v4;
	s24 =	smov.u32 s25  }
0x28: {  	v4 =	vld [tilespmem:s24+$0xFFFFFFF0]  }
.Ltmp0:
0x29: {  	v1 =	vadd.s32 v0, v1;
	(pc) =	sbr.rel @p0 .LBB2_2-.Ltmp0, $4  }
0x2a: {  	s25 =	sshra.s32 s26, $0x2;
	[tilespmem:s24+$0xFFFFFFC0] =	vst v1;
	v2 =	vadd.s32 v0, v2  }
0x2b: {  	v1 =	vld [tilespmem:s25+$0xFFFFFFC0];
	[tilespmem:s24+$0xFFFFFFD0] =	vst v2;
	v3 =	vadd.s32 v0, v3  }
0x2c: {  	v2 =	vld [tilespmem:s25+$0xFFFFFFD0];
	[tilespmem:s24+$0xFFFFFFE0] =	vst v3;
	v5 =	vadd.s32 v0, v5  }
0x2d: {  	s26 =	sadd.s32 $0x140, s26;
	v3 =	vld [tilespmem:s25+$0xFFFFFFE0];
	v4 =	vadd.s32 v0, v4;
	[tilespmem:s24+$0x0] =	vst v5  }
0x2e: {  	v5 =	vld [tilespmem:s25+$0x0];
	[tilespmem:s24+$0xFFFFFFF0] =	vst v4  }
0x2f: {  	v4 =	vld [tilespmem:s25+$0xFFFFFFF0]  }
0x30: {  	v1 =	vadd.s32 v0, v1  }
0x31: {  	[tilespmem:s25+$0xFFFFFFC0] =	vst v1;
	v1 =	vadd.s32 v0, v2  }
0x32: {  	[tilespmem:s25+$0xFFFFFFD0] =	vst v1;
	v1 =	vadd.s32 v0, v3  }
0x33: {  	[tilespmem:s25+$0xFFFFFFE0] =	vst v1;
	v1 =	vadd.s32 v0, v5  }
0x34: {  	v2 =	vadd.s32 v0, v4;
	[tilespmem:s25+$0x0] =	vst v1  }
0x35: {  	[tilespmem:s25+$0xFFFFFFF0] =	vst v2  }
0x36: {  	s31 =	simm.s32 $0x0;
	[bflag:$0x0] =	sbarrier.arrive $0xFFFF  }
0x37: {  	[tilespmem:s15], [sflag:$0x1] =	stream.indirect.gather [hbm4b:s4+s14], $0x80, s31, s14, $0xb8;
	[tilespmem:$0x1FEA0] =	vst v63  }
0x38: {  	_ = 	snop  }
0x39: {  	[tilespmem:s16], [sflag:$0x2] =	stream.indirect.gather [hbm4b:s4+s14], $0x80, s14, s14, $0xb8;
	[tilespmem:$0x1FEA0] =	vst v63  }
0x3a: {  	_ =	swait.ge [sflag:s17], $0x2800  }
0x3b: {  	[sflag:s17] =	ssyncset.done $0x0  }
0x3c: {  	s25 =	simm.s32 $0xA0;
	[sflag:s17] =	ssyncadd.s32 $0xFFFFD800  }
0x3d: {  	[tilespmem:s18], [sflag:$0x3] =	stream.indirect.gather [hbm4b:s4+s14], $0x80, s25, s14, $0xb8;
	[tilespmem:$0x1FEA0] =	vst v63  }
0x3e: {  	s26 =	simm.s32 $0x2710  }
0x3f: {  	[spmem:s2] =	stream.indirect.scatter.add.f32 [tilespmem:s15], [sflag:$0x4], $0x80, s26, s14, $0xb8;
	[tilespmem:$0x1FEA0] =	vst v63  }
0x40: {  	_ =	swait.ge [sflag:s12], $0x2800  }
0x41: {  	[sflag:s12] =	ssyncset.done $0x0  }
0x42: {  	[sflag:s12] =	ssyncadd.s32 $0xFFFFD800  }
0x43: {  	_ =	swait.ge [sflag:s19], $0x2800  }
0x44: {  	[sflag:s19] =	ssyncset.done $0x0  }
0x45: {  	s28 =	simm.s32 $0xF0;
	[sflag:s19] =	ssyncadd.s32 $0xFFFFD800  }
0x46: {  	[tilespmem:s15], [sflag:$0x1] =	stream.indirect.gather [hbm4b:s4+s14], $0x80, s28, s14, $0xb8;
	[tilespmem:$0x1FEA0] =	vst v63  }
0x47: {  	s29 =	simm.s32 $0x2760  }
0x48: {  	[spmem:s2] =	stream.indirect.scatter.add.f32 [tilespmem:s16], [sflag:$0x4], $0x80, s29, s14, $0xb8;
	[tilespmem:$0x1FEA0] =	vst v63  }
0x49: {  	_ =	swait.ge [sflag:s12], $0x2800  }
0x4a: {  	[sflag:s12] =	ssyncset.done $0x0  }
0x4b: {  	[sflag:s12] =	ssyncadd.s32 $0xFFFFD800  }
0x4c: {  	_ =	swait.ge [sflag:s20], $0x2800  }
0x4d: {  	[sflag:s20] =	ssyncset.done $0x0  }
0x4e: {  	s30 =	simm.s32 $0x140;
	[sflag:s20] =	ssyncadd.s32 $0xFFFFD800  }
0x4f: {  	[tilespmem:s16], [sflag:$0x2] =	stream.indirect.gather [hbm4b:s4+s14], $0x80, s30, s14, $0xb8;
	[tilespmem:$0x1FEA0] =	vst v63  }
0x50: {  	s31 =	simm.s32 $0x27B0  }
0x51: {  	[spmem:s2] =	stream.indirect.scatter.add.f32 [tilespmem:s18], [sflag:$0x4], $0x80, s31, s14, $0xb8;
	[tilespmem:$0x1FEA0] =	vst v63  }
0x52: {  	_ =	swait.ge [sflag:s12], $0x2800  }
0x53: {  	s24 =	simm.s32 $0x3C0;
	[sflag:s12] =	ssyncset.done $0x0  }
.LBB2_4:
0x54: {  	p0 =	sne.s32 s24, $0x9600  }
0x55: {  	[sflag:s12] =	ssyncadd.s32 $0xFFFFD800;
	s25 =	smov.u32 s24;
	s24 =	sadd.s32 $0x3C0, s24  }
0x56: {  	_ = 	snop  }
0x57: {  	_ =	swait.ge [sflag:s17], $0x2800  }
0x58: {  	s25 =	sshra.s32 s25, $0x2;
	[sflag:s17] =	ssyncset.done $0x0  }
0x59: {  	s26 =	sadd.s32 $0xA0, s25;
	[sflag:s17] =	ssyncadd.s32 $0xFFFFD800  }
0x5a: {  	[tilespmem:s18], [sflag:$0x3] =	stream.indirect.gather [hbm4b:s4+s14], $0x80, s26, s14, $0xb8;
	[tilespmem:$0x1FEA0] =	vst v63  }
0x5b: {  	s26 =	sadd.s32 $0x2710, s25  }
0x5c: {  	[spmem:s2] =	stream.indirect.scatter.add.f32 [tilespmem:s15], [sflag:$0x4], $0x80, s26, s14, $0xb8;
	[tilespmem:$0x1FEA0] =	vst v63  }
0x5d: {  	_ =	swait.ge [sflag:s12], $0x2800  }
0x5e: {  	[sflag:s12] =	ssyncset.done $0x0  }
0x5f: {  	[sflag:s12] =	ssyncadd.s32 $0xFFFFD800  }
0x60: {  	_ =	swait.ge [sflag:s19], $0x2800  }
0x61: {  	[sflag:s19] =	ssyncset.done $0x0  }
0x62: {  	s26 =	sadd.s32 $0xF0, s25;
	[sflag:s19] =	ssyncadd.s32 $0xFFFFD800  }
0x63: {  	[tilespmem:s15], [sflag:$0x1] =	stream.indirect.gather [hbm4b:s4+s14], $0x80, s26, s14, $0xb8;
	[tilespmem:$0x1FEA0] =	vst v63  }
0x64: {  	s26 =	sadd.s32 $0x2760, s25  }
0x65: {  	[spmem:s2] =	stream.indirect.scatter.add.f32 [tilespmem:s16], [sflag:$0x4], $0x80, s26, s14, $0xb8;
	[tilespmem:$0x1FEA0] =	vst v63  }
0x66: {  	_ =	swait.ge [sflag:s12], $0x2800  }
0x67: {  	[sflag:s12] =	ssyncset.done $0x0  }
0x68: {  	[sflag:s12] =	ssyncadd.s32 $0xFFFFD800  }
0x69: {  	_ =	swait.ge [sflag:s20], $0x2800  }
0x6a: {  	[sflag:s20] =	ssyncset.done $0x0  }
0x6b: {  	s26 =	sadd.s32 $0x140, s25;
	[sflag:s20] =	ssyncadd.s32 $0xFFFFD800  }
0x6c: {  	[tilespmem:s16], [sflag:$0x2] =	stream.indirect.gather [hbm4b:s4+s14], $0x80, s26, s14, $0xb8;
	[tilespmem:$0x1FEA0] =	vst v63  }
.Ltmp1:
0x6d: {  	_ = 	snop;
	(pc) =	sbr.rel @p0 .LBB2_4-.Ltmp1, $4  }
0x6e: {  	s25 =	sadd.s32 $0x27B0, s25  }
0x6f: {  	[spmem:s2] =	stream.indirect.scatter.add.f32 [tilespmem:s18], [sflag:$0x4], $0x80, s25, s14, $0xb8;
	[tilespmem:$0x1FEA0] =	vst v63  }
0x70: {  	_ =	swait.ge [sflag:s12], $0x2800  }
0x71: {  	[sflag:s12] =	ssyncset.done $0x0  }
0x72: {  	[sflag:s12] =	ssyncadd.s32 $0xFFFFD800  }
0x73: {  	_ =	swait.ge [sflag:s17], $0x2800  }
0x74: {  	[sflag:s17] =	ssyncset.done $0x0  }
0x75: {  	[sflag:s17] =	ssyncadd.s32 $0xFFFFD800  }
0x76: {  	[spmem:s2] =	stream.indirect.scatter.add.f32 [tilespmem:s15], [sflag:$0x4], $0x80, s21, s14, $0xb8;
	[tilespmem:$0x1FEA0] =	vst v63  }
0x77: {  	_ =	swait.ge [sflag:s12], $0x2800  }
0x78: {  	[sflag:s12] =	ssyncset.done $0x0  }
0x79: {  	[sflag:s12] =	ssyncadd.s32 $0xFFFFD800  }
0x7a: {  	_ =	swait.ge [sflag:s19], $0x2800  }
0x7b: {  	[sflag:s19] =	ssyncset.done $0x0  }
0x7c: {  	[sflag:s19] =	ssyncadd.s32 $0xFFFFD800  }
0x7d: {  	[spmem:s2] =	stream.indirect.scatter.add.f32 [tilespmem:s16], [sflag:$0x4], $0x80, s22, s14, $0xb8;
	[tilespmem:$0x1FEA0] =	vst v63  }
0x7e: {  	_ =	swait.ge [sflag:s12], $0x2800  }
0x7f: {  	s23 =	sadd.s32 $0x1, s23;
	[sflag:s12] =	ssyncset.done $0x0  }
0x80: {  	p0 =	sne.s32 s23, s10;
	[sflag:s12] =	ssyncadd.s32 $0xFFFFD800  }
.Ltmp2:
0x81: {  	[bflag:$0x0] =	sbarrier.arrive $0xFFFF;
	(pc) =	sbr.rel @p0 .LBB2_1-.Ltmp2, $4  }
0x82: {  	[hbm:s9], [sflag:s6] =	dma.local [spmem:s11], $0x2710  }
0x83: {  	_ =	swait.ge [sflag:s12], $0x2710  }
0x84: {  	[sflag:s12] =	ssyncset.done $0x0  }
0x85: {  	[sflag:s12] =	ssyncadd.s32 $0xFFFFD8F0  }
0x86: {  	_ =	sfence.sel $0x180000  }
0x87: {  	[bflag:$0x0] =	sbarrier.arrive $0xFFFF  }
0x88: {  	p0 =	sne.s32 s0, $0x0;
	_ =	strace $0x9000004A  }
0x89: {  	s0 =	sadd.s32 @!p0 $0x100000, s1;
	[bflag:$0x2] =	sbarrier.arrive $0xFFFF  }
0x8a: {  	[sflag:s0] =	ssyncadd.tile.s32 @!p0 $0x1;
	_ =	shalt  }
.Lfunc_end2:
_tile_overlayer_lowered:
.L_overlay_start_2:
0x8b: {  	(tag) =	ssettag $0x2  }
0x8c: {  	s0 =	rddreg [dreg:$0x0];
	s2 =	stileid.u32  }
0x8d: {  	s1 =	rddreg [dreg:$0x1];
	p0 =	sne.s32 s2, $0x0  }
0x8e: {  	s3 =	rddreg [dreg:$0x2];
	[bflag:$0x3] =	sbarrier.arrive $0xFFFF;
	s2 =	simm.s32 @!p0 $0x1C04  }
0x8f: {  	[timem:s3], [sflag:s2] =	dma.local @!p0 [hbm:s0], s1  }
0x90: {  	s0 =	simm.s32 @!p0 $0x4  }
0x91: {  	_ =	swait.ge @!p0 [sflag:s0], s1  }
0x92: {  	s1 =	ssub.s32 @!p0 $0x0, s1;
	[sflag:s0] =	ssyncset.done @!p0 $0x0  }
0x93: {  	[sflag:s0] =	ssyncadd.s32 @!p0 s1  }
0x94: {  	[bflag:$0x3] =	sbarrier.arrive $0xFFFF  }
0x95: {  	_ =	shalt  }

// kernel: kernel.15.cloned.1.call-start
scs
__scs_entry_jumppad:
0x0: {  	(pc) =	sbr.rel $0x88, $3  }
0x1: {  	(tag) =	ssettag $0x0;
	lr =	simm.s32 $0x1  }
0x2: {  	[smem:$0x3F9B] =	sst lr;
	_ =	strace $0xD0000000  }
0x3: {  	_ = 	snop  }
0x4: {  	_ = 	snop  }
0x5: {  	_ = 	snop  }
0x6: {  	_ = 	snop  }
0x7: {  	_ = 	snop  }
__scs_overlays_trampoline_lowered:
0x8: {  	[smem:$0x3FAA] =	sst s0  }
0x9: {  	[smem:$0x3FAB] =	sst s1  }
0xa: {  	[smem:$0x3FAC] =	sst s2  }
0xb: {  	[smem:$0x3FAD] =	sst s3  }
0xc: {  	[smem:$0x3FAE] =	sst s4  }
0xd: {  	[smem:$0x3FAF] =	sst s5  }
0xe: {  	[smem:$0x3FB0] =	sst s6  }
0xf: {  	[smem:$0x3FB1] =	sst s7  }
0x10: {  	[smem:$0x3FB2] =	sst s8  }
0x11: {  	[smem:$0x3FB3] =	sst s9;
	s0 =	simm.s32 @!p0 $0x0  }
0x12: {  	s1 =	sld [smem:$0x3F99];
	s0 =	simm.s32 @p0 $0x1  }
0x13: {  	[smem:$0x3FB4] =	sst s0;
	s0 =	simm.s32 @!p1 $0x0  }
0x14: {  	s2 =	sld [smem:$0x3F98];
	s0 =	simm.s32 @p1 $0x1  }
0x15: {  	[smem:$0x3FB5] =	sst s0;
	s0 =	simm.s32 @!p2 $0x0  }
0x16: {  	s3 =	sld [smem:$0x3FDB];
	s0 =	simm.s32 @p2 $0x1  }
0x17: {  	s4 =	simm.s32 $0x1BF5;
	[smem:$0x3FB7] =	sst s0  }
0x18: {  	s0 =	sld [smem:$0x3F9A];
	_ =	swait.ge [sflag:s4], $0x0  }
0x19: {  	s7 =	sld [smem:$0x3F9B]  }
0x1a: {  	s8 =	sadd.s32 $0xFFFFE003, lr  }
0x1b: {  	s9 =	sadd.s32 $0xFFFFFEF7, lr;
	s5 =	simm.s32 $0xFFFFFFFF;
	p2 =	slt.u32 s8, $0xFFFFF086  }
0x1c: {  	p1 =	slt.u32 s9, $0xF7A;
	s5 =	simm.s32 @!p2 $0x0  }
0x1d: {  	s5 =	simm.s32 @p1 $0x1;
	p0 =	seq.s32 s7, s2  }
0x1e: {  	s7 =	smul.u32 @!p0 $0xF7A, s2;
	p2 =	seq.s32 @!p0 s5, $0x0  }
0x1f: {  	s9 =	smul.u32 $0xF7A, s1;
	s8 =	simm.s32 @!p0 $0x1BF5;
	p2 =	por !p2, p0  }
0x20: {  	[sflag:s8] =	ssyncset.s32 @!p0 $0xFFFFF086;
	s6 =	sadd.s32 @!p0 s3, s7;
	s7 =	simm.s32 @!p0 $0x108  }
0x21: {  	s3 =	sadd.s32 s3, s9;
	s6 =	sadd.s32 @!p0 $0x88, s6;
	s7 =	simm.s32 @p2 $0x1082  }
0x22: {  	[simem:s7], [sflag:s8] =	dma.local @!p0 [hbm:s6], $0xF7A  }
0x23: {  	s9 =	sor.u32 $0xD0000000, s2;
	s6 =	simm.s32 $0x108;
	_ =	swait.ge @!p0 [sflag:s8], $0x0  }
0x24: {  	s3 =	sadd.s32 $0x88, s3;
	s6 =	simm.s32 @!p1 $0x1082;
	[sflag:s4] =	ssyncset.s32 $0xFFFFF086  }
0x25: {  	[simem:s6], [sflag:s4] =	dma.local [hbm:s3], $0xF7A  }
0x26: {  	[smem:$0x3F9B] =	sst s1;
	(tag) =	ssettag s2;
	_ =	strace s9  }
0x27: {  	s1 =	sld [smem:$0x3FAB]  }
0x28: {  	s2 =	sld [smem:$0x3FAC]  }
0x29: {  	s4 =	sld [smem:$0x3FAE]  }
0x2a: {  	p0 =	seq.s32 s5, $0x0;
	s5 =	sld [smem:$0x3FAF]  }
0x2b: {  	s6 =	sld [smem:$0x3FB0]  }
0x2c: {  	s7 =	sld [smem:$0x3FB1]  }
0x2d: {  	s3 =	simm.s32 $0x108;
	s8 =	sld [smem:$0x3FB2]  }
0x2e: {  	s3 =	simm.s32 @!p0 $0x1082;
	s9 =	sld [smem:$0x3FB3]  }
0x2f: {  	lr =	sadd.s32 s0, s3;
	s0 =	sld [smem:$0x3FAA]  }
0x30: {  	s3 =	sld [smem:$0x3FAD]  }
0x31: {  	[smem:$0x3FB6] =	sst s10  }
0x32: {  	s10 =	sld [smem:$0x3FB4];
	_ =	sdelay $0x3  }
0x33: {  	p0 =	seq.s32 s10, $0x1;
	s10 =	sld [smem:$0x3FB6];
	_ =	sdelay $0x3  }
0x34: {  	[smem:$0x3FB6] =	sst s10  }
0x35: {  	s10 =	sld [smem:$0x3FB5];
	_ =	sdelay $0x3  }
0x36: {  	p1 =	seq.s32 s10, $0x1;
	s10 =	sld [smem:$0x3FB6];
	_ =	sdelay $0x3  }
0x37: {  	[smem:$0x3FB6] =	sst s10  }
0x38: {  	s10 =	sld [smem:$0x3FB7]  }
0x39: {  	_ = 	snop;
	(pc) =	sbr.ind lr, $3  }
0x3a: {  	_ = 	snop  }
0x3b: {  	_ = 	snop  }
0x3c: {  	p2 =	seq.s32 s10, $0x1;
	s10 =	sld [smem:$0x3FB6]  }
0x3d: {  	_ =	shalt  }
0x3e: {  	_ =	shalt  }
0x3f: {  	_ =	shalt  }
0x40: {  	_ =	shalt  }
0x41: {  	_ =	shalt  }
0x42: {  	_ =	shalt  }
0x43: {  	_ =	shalt  }
0x44: {  	_ =	shalt  }
0x45: {  	_ =	shalt  }
0x46: {  	_ =	shalt  }
0x47: {  	_ =	shalt  }
0x48: {  	_ =	shalt  }
0x49: {  	_ =	shalt  }
0x4a: {  	_ =	shalt  }
0x4b: {  	_ =	shalt  }
0x4c: {  	_ =	shalt  }
0x4d: {  	_ =	shalt  }
0x4e: {  	_ =	shalt  }
0x4f: {  	_ =	shalt  }
0x50: {  	_ =	shalt  }
0x51: {  	_ =	shalt  }
0x52: {  	_ =	shalt  }
0x53: {  	_ =	shalt  }
0x54: {  	_ =	shalt  }
0x55: {  	_ =	shalt  }
0x56: {  	_ =	shalt  }
0x57: {  	_ =	shalt  }
0x58: {  	_ =	shalt  }
0x59: {  	_ =	shalt  }
0x5a: {  	_ =	shalt  }
0x5b: {  	_ =	shalt  }
0x5c: {  	_ =	shalt  }
0x5d: {  	_ =	shalt  }
0x5e: {  	_ =	shalt  }
0x5f: {  	_ =	shalt  }
0x60: {  	_ =	shalt  }
0x61: {  	_ =	shalt  }
0x62: {  	_ =	shalt  }
0x63: {  	_ =	shalt  }
0x64: {  	_ =	shalt  }
0x65: {  	_ =	shalt  }
0x66: {  	_ =	shalt  }
0x67: {  	_ =	shalt  }
0x68: {  	_ =	shalt  }
0x69: {  	_ =	shalt  }
0x6a: {  	_ =	shalt  }
0x6b: {  	_ =	shalt  }
0x6c: {  	_ =	shalt  }
0x6d: {  	_ =	shalt  }
0x6e: {  	_ =	shalt  }
0x6f: {  	_ =	shalt  }
0x70: {  	_ =	shalt  }
0x71: {  	_ =	shalt  }
0x72: {  	_ =	shalt  }
0x73: {  	_ =	shalt  }
0x74: {  	_ =	shalt  }
0x75: {  	_ =	shalt  }
0x76: {  	_ =	shalt  }
0x77: {  	_ =	shalt  }
0x78: {  	_ =	shalt  }
0x79: {  	_ =	shalt  }
0x7a: {  	_ =	shalt  }
0x7b: {  	_ =	shalt  }
0x7c: {  	_ =	shalt  }
0x7d: {  	_ =	shalt  }
0x7e: {  	_ =	shalt  }
0x7f: {  	_ =	shalt  }
0x80: {  	_ =	shalt  }
0x81: {  	_ =	shalt  }
0x82: {  	_ =	shalt  }
0x83: {  	_ =	shalt  }
0x84: {  	_ =	shalt  }
0x85: {  	_ =	shalt  }
0x86: {  	_ =	shalt  }
0x87: {  	_ =	shalt  }
.Lfunc_end0:
.L_simem_size_0:
called_computation.2_lowered:
.L_overlay_start_0:
0x88: {  	s2 =	sld [smem:$0x3FD9]  }
0x89: {  	s3 =	sld [smem:$0x3FFE];
	_ =	sdelay $0x1  }
0x8a: {  	s1 =	srdreg.scid  }
0x8b: {  	s0 =	sand.u32 $0x1, s1  }
0x8c: {  	s16 =	sshll.u32 s0, $0xA;
	s2 =	sadd.s32 s3, s2  }
0x8d: {  	s2 =	sadd.s32 s2, s16  }
0x8e: {  	[smem:$0x3FC2] =	sst s2  }
0x8f: {  	_ = 	snop  }
0x90: {  	(tm) =	ssettm $0x1  }
0x91: {  	s17 =	sld [smem:$0x3FFB];
	_ =	sdelay $0x3  }
0x92: {  	_ =	strace s17  }
0x93: {  	s2 =	sld [smem:$0x3FFC];
	_ =	sdelay $0x3  }
0x94: {  	_ =	strace s2  }
0x95: {  	s2 =	sld [smem:$0x3FFD];
	_ =	sdelay $0x3  }
0x96: {  	_ =	strace s2  }
0x97: {  	_ =	strace $0x8FFFFFFF  }
0x98: {  	s18 =	sld [smem:$0x3FDB];
	_ =	sdelay $0x1  }
0x99: {  	s19 =	simm.s32 $_scs_section_size  }
0x9a: {  	s4 =	simm.s32 $_size__tile_overlayer_lowered;
	s5 =	simm.s32 $_tile_overlayer_lowered  }
0x9b: {  	s22 =	simm.s32 $0x1BFF;
	s21 =	sshll.u32 s5, $0x1;
	s2 =	sadd.s32 s19, s18  }
0x9c: {  	s6 =	simm.s32 $0x0;
	s20 =	sshll.u32 s4, $0x1;
	s4 =	sadd.s32 s21, s2  }
0x9d: {  	[timem:s6], [sflag:s22] =	dma.local [hbm:s4], s20  }
0x9e: {  	_ =	swait.ge [sflag:s22], s20  }
0x9f: {  	s3 =	ssub.s32 $0x0, s20;
	[sflag:s22] =	ssyncset.done $0x0  }
0xa0: {  	[sflag:s22] =	ssyncadd.s32 s3;
	_ =	sdelay $0x1  }
0xa1: {  	s23 =	simm.s32 $0x1B8B  }
0xa2: {  	_ =	swait.ge [sflag:s23], $0x1  }
0xa3: {  	[sflag:s23] =	ssyncset.done $0x0  }
0xa4: {  	s25 =	simm.s32 $0x1B8E;
	s24 =	sld [smem:$0x3FFE];
	[sflag:s23] =	ssyncadd.s32 $0xFFFFFFFF  }
0xa5: {  	s26 =	simm.s32 $execute0_lowered;
	[smem:$0x3FD2] =	sst s25  }
0xa6: {  	s4 =	sshll.u32 s26, $0x1;
	_ =	strace $0x8000004C;
	[dreg:$0x1] =	wrdreg $0xFFFFFFFF  }
0xa7: {  	s28 =	simm.s32 $_size_execute0_lowered;
	s2 =	sadd.s32 s2, s4;
	[dreg:$0x0] =	wrdreg $0x0  }
0xa8: {  	s4 =	sshll.u32 s28, $0x1;
	[dreg:$0x2] =	wrdreg s2  }
0xa9: {  	[dreg:$0x3] =	wrdreg s4  }
0xaa: {  	[dreg:$0x4] =	wrdreg $0xC0  }
0xab: {  	_ =	task [dreg:s6], $0x5FFFF  }
0xac: {  	[dreg:$0x1] =	wrdreg $0xFFFFFFFF  }
0xad: {  	[dreg:$0x0] =	wrdreg $0x60  }
0xae: {  	[dreg:$0x2] =	wrdreg s24  }
0xaf: {  	[dreg:$0x3] =	wrdreg $0xC6200  }
0xb0: {  	[dreg:$0x4] =	wrdreg $0x9  }
0xb1: {  	_ =	task.clear_ibuf [dreg:s6], $0x5FFFF;
	_ =	strace $0x9000004C  }
0xb2: {  	s29 =	simm.s32 $0x9;
	_ =	strace $0x8000004E  }
0xb3: {  	_ =	swait.ge [sflag:s29], $0x1  }
0xb4: {  	[sflag:s29] =	ssyncadd.s32 $0xFFFFFFFF  }
0xb5: {  	_ =	strace $0x9000004E  }
0xb6: {  	_ =	sfence  }
0xb7: {  	s30 =	sld [smem:$0x0];
	_ =	sdelay $0x2  }
0xb8: {  	s31 =	sshll.u32 s1, $0xD;
	s1 =	sshrl.u32 s1, $0x2  }
0xb9: {  	s3 =	sand.u32 $0x4000, s31;
	s1 =	sadd.s32 s1, s30  }
0xba: {  	s0 =	sor.u32 s3, s0;
	s1 =	sshll.u32 s1, $0x11  }
0xbb: {  	s0 =	sor.u32 s1, s0  }
0xbc: {  	s0 =	sadd.s32 $0x8F2B, s0  }
0xbd: {  	[sflag:s0] =	ssyncadd.remote.s32 $0x1  }
0xbe: {  	_ =	sfence.sel $0xFFFF  }
0xbf: {  	[dreg:$0x0] =	wrdreg $0xFFFFFFFF;
	(pc) =	sbr.abs _section_cstart, $3  }
0xc0: {  	[dreg:$0x1] =	wrdreg $0xFFFFFFFF  }
0xc1: {  	_ =	task.clear_ibuf [dreg:s6], $0x2FFFF;
	_ =	strace $0x9FFFFFFF  }
0xc2: {  	(tm) =	ssettm $0x7FFFFFFF  }
0xc3: {  	_ =	shalt  }
tec
execute0_lowered:
.L_overlay_start_1:
0x0: {  	(tag) =	ssettag $0x1  }
0x1: {  	s5 =	rddreg [dreg:$0x0]  }
0x2: {  	s0 =	stileid.u32;
	s1 =	srdreg.scid  }
0x3: {  	s2 =	rddreg [dreg:$0x1];
	s3 =	simm.s32 $0x0;
	s15 =	simm.s32 $0x4E20  }
0x4: {  	s16 =	simm.s32 $0x7620;
	s17 =	simm.s32 $0x1;
	s18 =	simm.s32 $0x9E20  }
0x5: {  	s19 =	simm.s32 $0x2;
	s20 =	simm.s32 $0x3;
	s6 =	smul.u32 $0x4E2, s0  }
0x6: {  	s22 =	simm.s32 $0x4DD0;
	s23 =	simm.s32 $0x0;
	s8 =	smul.u32 $0x13880, s0  }
0x7: {  	s7 =	sand.u32 $0x1, s1;
	s1 =	rddreg [dreg:$0x2];
	s10 =	smul.u32 $0x271, s0  }
0x8: {  	[smem:$0x7FF] =	sst s3;
	s4 =	sadd.s32 $0xC200, s5;
	s9 =	smul.u32 $0x138800, s7  }
0x9: {  	s31 =	sshll.u32 s0, $0x6;
	s21 =	smul.u32 $0x2710, s7;
	s7 =	ssub.s32 $0x2, s7  }
0xa: {  	_ =	strace $0x8000004D;
	s11 =	sadd.s32 s6, s5;
	s29 =	sshrl.u32 s7, $0x1  }
0xb: {  	s14 =	sadd.s32 s8, s2;
	s28 =	sadd.s32 s8, s9;
	s10 =	sadd.s32 s10, s21  }
0xc: {  	s13 =	ssub.s32 s7, s29;
	s7 =	sadd.s32 $0x2200, s11;
	s8 =	sadd.s32 $0x7200, s11  }
0xd: {  	s11 =	sshrl.u32 s14, $0x3;
	s14 =	simm.s32 $0x50;
	v0 =	vmov s21;
	s21 =	simm.s32 $0x4D80  }
0xe: {  	s6 =	sshrl.u32 s28, $0x3;
	s30 =	sshll.u32 s10, $0x4;
	s10 =	smax.u32 s13, $0x1  }
0xf: {  	s13 =	simm.s32 $0x2710;
	s12 =	sadd.s32 s6, s5;
	s5 =	sadd.s32 s4, s30  }
0x10: {  	s6 =	sor.u32 $0x1C04, s31;
	s9 =	sadd.s32 $0x5A400, s12;
	s12 =	simm.s32 $0x4  }
.LBB2_1:
0x11: {  	[spmem:s11], [sflag:s6] =	dma.local [hbm:s5], $0x2710  }
0x12: {  	_ =	swait.ge [sflag:s12], $0x2710  }
0x13: {  	[sflag:s12] =	ssyncset.done $0x0  }
0x14: {  	[sflag:s12] =	ssyncadd.s32 $0xFFFFD8F0  }
0x15: {  	[tilespmem:s3], [sflag:$0x4] =	stream.linear.gather [hbm4b:s7+s3], $0x2710, $0x38;
	[tilespmem:$0x1FEA0] =	vst v63  }
0x16: {  	_ =	swait.ge [sflag:s12], $0x2710  }
0x17: {  	[sflag:s12] =	ssyncset.done $0x0  }
0x18: {  	[sflag:s12] =	ssyncadd.s32 $0xFFFFD8F0  }
0x19: {  	[tilespmem:s13], [sflag:$0x4] =	stream.linear.gather [hbm4b:s8+s3], $0x2710, $0x38;
	[tilespmem:$0x1FEA0] =	vst v63  }
0x1a: {  	_ =	swait.ge [sflag:s12], $0x2710  }
0x1b: {  	[sflag:s12] =	ssyncset.done $0x0  }
0x1c: {  	s24 =	simm.s32 $0x40;
	[sflag:s12] =	ssyncadd.s32 $0xFFFFD8F0  }
0x1d: {  	v1 =	vld [tilespmem:s24+$0xFFFFFFC0]  }
0x1e: {  	v2 =	vld [tilespmem:s24+$0xFFFFFFD0]  }
0x1f: {  	v3 =	vld [tilespmem:s24+$0xFFFFFFE0]  }
0x20: {  	v4 =	vld [tilespmem:s24+$0x0]  }
0x21: {  	v5 =	vld [tilespmem:s24+$0xFFFFFFF0]  }
0x22: {  	v1 =	vadd.s32 v0, v1  }
0x23: {  	s25 =	simm.s32 $0x90;
	v2 =	vadd.s32 v0, v2;
	[tilespmem:s24+$0xFFFFFFC0] =	vst v1  }
0x24: {  	v3 =	vadd.s32 v0, v3;
	v1 =	vld [tilespmem:s25+$0xFFFFFFC0];
	[tilespmem:s24+$0xFFFFFFD0] =	vst v2  }
0x25: {  	v6 =	vadd.s32 v0, v4;
	v2 =	vld [tilespmem:s25+$0xFFFFFFD0];
	[tilespmem:s24+$0xFFFFFFE0] =	vst v3  }
0x26: {  	s26 =	simm.s32 $0x380;
	v4 =	vadd.s32 v0, v5;
	v3 =	vld [tilespmem:s25+$0xFFFFFFE0];
	[tilespmem:s24+$0x0] =	vst v6  }
.LBB2_2:
0x27: {  	p0 =	sne.s32 s26, $0x9C00;
	v5 =	vld [tilespmem:s25+$0x0];
	[tilespmem:s24+$0xFFFFFFF0] =	vst v4;
	s24 =	smov.u32 s25  }
0x28: {  	v4 =	vld [tilespmem:s24+$0xFFFFFFF0]  }
.Ltmp0:
0x29: {  	v1 =	vadd.s32 v0, v1;
	(pc) =	sbr.rel @p0 .LBB2_2-.Ltmp0, $4  }
0x2a: {  	s25 =	sshra.s32 s26, $0x2;
	[tilespmem:s24+$0xFFFFFFC0] =	vst v1;
	v2 =	vadd.s32 v0, v2  }
0x2b: {  	v1 =	vld [tilespmem:s25+$0xFFFFFFC0];
	[tilespmem:s24+$0xFFFFFFD0] =	vst v2;
	v3 =	vadd.s32 v0, v3  }
0x2c: {  	v2 =	vld [tilespmem:s25+$0xFFFFFFD0];
	[tilespmem:s24+$0xFFFFFFE0] =	vst v3;
	v5 =	vadd.s32 v0, v5  }
0x2d: {  	s26 =	sadd.s32 $0x140, s26;
	v3 =	vld [tilespmem:s25+$0xFFFFFFE0];
	v4 =	vadd.s32 v0, v4;
	[tilespmem:s24+$0x0] =	vst v5  }
0x2e: {  	v5 =	vld [tilespmem:s25+$0x0];
	[tilespmem:s24+$0xFFFFFFF0] =	vst v4  }
0x2f: {  	v4 =	vld [tilespmem:s25+$0xFFFFFFF0]  }
0x30: {  	v1 =	vadd.s32 v0, v1  }
0x31: {  	[tilespmem:s25+$0xFFFFFFC0] =	vst v1;
	v1 =	vadd.s32 v0, v2  }
0x32: {  	[tilespmem:s25+$0xFFFFFFD0] =	vst v1;
	v1 =	vadd.s32 v0, v3  }
0x33: {  	[tilespmem:s25+$0xFFFFFFE0] =	vst v1;
	v1 =	vadd.s32 v0, v5  }
0x34: {  	v2 =	vadd.s32 v0, v4;
	[tilespmem:s25+$0x0] =	vst v1  }
0x35: {  	[tilespmem:s25+$0xFFFFFFF0] =	vst v2  }
0x36: {  	s31 =	simm.s32 $0x0;
	[bflag:$0x0] =	sbarrier.arrive $0xFFFF  }
0x37: {  	[tilespmem:s15], [sflag:$0x1] =	stream.indirect.gather [hbm4b:s4+s14], $0x80, s31, s14, $0xb8;
	[tilespmem:$0x1FEA0] =	vst v63  }
0x38: {  	_ = 	snop  }
0x39: {  	[tilespmem:s16], [sflag:$0x2] =	stream.indirect.gather [hbm4b:s4+s14], $0x80, s14, s14, $0xb8;
	[tilespmem:$0x1FEA0] =	vst v63  }
0x3a: {  	_ =	swait.ge [sflag:s17], $0x2800  }
0x3b: {  	[sflag:s17] =	ssyncset.done $0x0  }
0x3c: {  	s25 =	simm.s32 $0xA0;
	[sflag:s17] =	ssyncadd.s32 $0xFFFFD800  }
0x3d: {  	[tilespmem:s18], [sflag:$0x3] =	stream.indirect.gather [hbm4b:s4+s14], $0x80, s25, s14, $0xb8;
	[tilespmem:$0x1FEA0] =	vst v63  }
0x3e: {  	s26 =	simm.s32 $0x2710  }
0x3f: {  	[spmem:s2] =	stream.indirect.scatter.add.f32 [tilespmem:s15], [sflag:$0x4], $0x80, s26, s14, $0xb8;
	[tilespmem:$0x1FEA0] =	vst v63  }
0x40: {  	_ =	swait.ge [sflag:s12], $0x2800  }
0x41: {  	[sflag:s12] =	ssyncset.done $0x0  }
0x42: {  	[sflag:s12] =	ssyncadd.s32 $0xFFFFD800  }
0x43: {  	_ =	swait.ge [sflag:s19], $0x2800  }
0x44: {  	[sflag:s19] =	ssyncset.done $0x0  }
0x45: {  	s28 =	simm.s32 $0xF0;
	[sflag:s19] =	ssyncadd.s32 $0xFFFFD800  }
0x46: {  	[tilespmem:s15], [sflag:$0x1] =	stream.indirect.gather [hbm4b:s4+s14], $0x80, s28, s14, $0xb8;
	[tilespmem:$0x1FEA0] =	vst v63  }
0x47: {  	s29 =	simm.s32 $0x2760  }
0x48: {  	[spmem:s2] =	stream.indirect.scatter.add.f32 [tilespmem:s16], [sflag:$0x4], $0x80, s29, s14, $0xb8;
	[tilespmem:$0x1FEA0] =	vst v63  }
0x49: {  	_ =	swait.ge [sflag:s12], $0x2800  }
0x4a: {  	[sflag:s12] =	ssyncset.done $0x0  }
0x4b: {  	[sflag:s12] =	ssyncadd.s32 $0xFFFFD800  }
0x4c: {  	_ =	swait.ge [sflag:s20], $0x2800  }
0x4d: {  	[sflag:s20] =	ssyncset.done $0x0  }
0x4e: {  	s30 =	simm.s32 $0x140;
	[sflag:s20] =	ssyncadd.s32 $0xFFFFD800  }
0x4f: {  	[tilespmem:s16], [sflag:$0x2] =	stream.indirect.gather [hbm4b:s4+s14], $0x80, s30, s14, $0xb8;
	[tilespmem:$0x1FEA0] =	vst v63  }
0x50: {  	s31 =	simm.s32 $0x27B0  }
0x51: {  	[spmem:s2] =	stream.indirect.scatter.add.f32 [tilespmem:s18], [sflag:$0x4], $0x80, s31, s14, $0xb8;
	[tilespmem:$0x1FEA0] =	vst v63  }
0x52: {  	_ =	swait.ge [sflag:s12], $0x2800  }
0x53: {  	s24 =	simm.s32 $0x3C0;
	[sflag:s12] =	ssyncset.done $0x0  }
.LBB2_4:
0x54: {  	p0 =	sne.s32 s24, $0x9600  }
0x55: {  	[sflag:s12] =	ssyncadd.s32 $0xFFFFD800;
	s25 =	smov.u32 s24;
	s24 =	sadd.s32 $0x3C0, s24  }
0x56: {  	_ = 	snop  }
0x57: {  	_ =	swait.ge [sflag:s17], $0x2800  }
0x58: {  	s25 =	sshra.s32 s25, $0x2;
	[sflag:s17] =	ssyncset.done $0x0  }
0x59: {  	s26 =	sadd.s32 $0xA0, s25;
	[sflag:s17] =	ssyncadd.s32 $0xFFFFD800  }
0x5a: {  	[tilespmem:s18], [sflag:$0x3] =	stream.indirect.gather [hbm4b:s4+s14], $0x80, s26, s14, $0xb8;
	[tilespmem:$0x1FEA0] =	vst v63  }
0x5b: {  	s26 =	sadd.s32 $0x2710, s25  }
0x5c: {  	[spmem:s2] =	stream.indirect.scatter.add.f32 [tilespmem:s15], [sflag:$0x4], $0x80, s26, s14, $0xb8;
	[tilespmem:$0x1FEA0] =	vst v63  }
0x5d: {  	_ =	swait.ge [sflag:s12], $0x2800  }
0x5e: {  	[sflag:s12] =	ssyncset.done $0x0  }
0x5f: {  	[sflag:s12] =	ssyncadd.s32 $0xFFFFD800  }
0x60: {  	_ =	swait.ge [sflag:s19], $0x2800  }
0x61: {  	[sflag:s19] =	ssyncset.done $0x0  }
0x62: {  	s26 =	sadd.s32 $0xF0, s25;
	[sflag:s19] =	ssyncadd.s32 $0xFFFFD800  }
0x63: {  	[tilespmem:s15], [sflag:$0x1] =	stream.indirect.gather [hbm4b:s4+s14], $0x80, s26, s14, $0xb8;
	[tilespmem:$0x1FEA0] =	vst v63  }
0x64: {  	s26 =	sadd.s32 $0x2760, s25  }
0x65: {  	[spmem:s2] =	stream.indirect.scatter.add.f32 [tilespmem:s16], [sflag:$0x4], $0x80, s26, s14, $0xb8;
	[tilespmem:$0x1FEA0] =	vst v63  }
0x66: {  	_ =	swait.ge [sflag:s12], $0x2800  }
0x67: {  	[sflag:s12] =	ssyncset.done $0x0  }
0x68: {  	[sflag:s12] =	ssyncadd.s32 $0xFFFFD800  }
0x69: {  	_ =	swait.ge [sflag:s20], $0x2800  }
0x6a: {  	[sflag:s20] =	ssyncset.done $0x0  }
0x6b: {  	s26 =	sadd.s32 $0x140, s25;
	[sflag:s20] =	ssyncadd.s32 $0xFFFFD800  }
0x6c: {  	[tilespmem:s16], [sflag:$0x2] =	stream.indirect.gather [hbm4b:s4+s14], $0x80, s26, s14, $0xb8;
	[tilespmem:$0x1FEA0] =	vst v63  }
.Ltmp1:
0x6d: {  	_ = 	snop;
	(pc) =	sbr.rel @p0 .LBB2_4-.Ltmp1, $4  }
0x6e: {  	s25 =	sadd.s32 $0x27B0, s25  }
0x6f: {  	[spmem:s2] =	stream.indirect.scatter.add.f32 [tilespmem:s18], [sflag:$0x4], $0x80, s25, s14, $0xb8;
	[tilespmem:$0x1FEA0] =	vst v63  }
0x70: {  	_ =	swait.ge [sflag:s12], $0x2800  }
0x71: {  	[sflag:s12] =	ssyncset.done $0x0  }
0x72: {  	[sflag:s12] =	ssyncadd.s32 $0xFFFFD800  }
0x73: {  	_ =	swait.ge [sflag:s17], $0x2800  }
0x74: {  	[sflag:s17] =	ssyncset.done $0x0  }
0x75: {  	[sflag:s17] =	ssyncadd.s32 $0xFFFFD800  }
0x76: {  	[spmem:s2] =	stream.indirect.scatter.add.f32 [tilespmem:s15], [sflag:$0x4], $0x80, s21, s14, $0xb8;
	[tilespmem:$0x1FEA0] =	vst v63  }
0x77: {  	_ =	swait.ge [sflag:s12], $0x2800  }
0x78: {  	[sflag:s12] =	ssyncset.done $0x0  }
0x79: {  	[sflag:s12] =	ssyncadd.s32 $0xFFFFD800  }
0x7a: {  	_ =	swait.ge [sflag:s19], $0x2800  }
0x7b: {  	[sflag:s19] =	ssyncset.done $0x0  }
0x7c: {  	[sflag:s19] =	ssyncadd.s32 $0xFFFFD800  }
0x7d: {  	[spmem:s2] =	stream.indirect.scatter.add.f32 [tilespmem:s16], [sflag:$0x4], $0x80, s22, s14, $0xb8;
	[tilespmem:$0x1FEA0] =	vst v63  }
0x7e: {  	_ =	swait.ge [sflag:s12], $0x2800  }
0x7f: {  	s23 =	sadd.s32 $0x1, s23;
	[sflag:s12] =	ssyncset.done $0x0  }
0x80: {  	p0 =	sne.s32 s23, s10;
	[sflag:s12] =	ssyncadd.s32 $0xFFFFD800  }
.Ltmp2:
0x81: {  	[bflag:$0x0] =	sbarrier.arrive $0xFFFF;
	(pc) =	sbr.rel @p0 .LBB2_1-.Ltmp2, $4  }
0x82: {  	[hbm:s9], [sflag:s6] =	dma.local [spmem:s11], $0x2710  }
0x83: {  	_ =	swait.ge [sflag:s12], $0x2710  }
0x84: {  	[sflag:s12] =	ssyncset.done $0x0  }
0x85: {  	[sflag:s12] =	ssyncadd.s32 $0xFFFFD8F0  }
0x86: {  	_ =	sfence.sel $0x180000  }
0x87: {  	[bflag:$0x0] =	sbarrier.arrive $0xFFFF  }
0x88: {  	p0 =	sne.s32 s0, $0x0;
	_ =	strace $0x9000004D  }
0x89: {  	s0 =	sadd.s32 @!p0 $0x100000, s1;
	[bflag:$0x2] =	sbarrier.arrive $0xFFFF  }
0x8a: {  	[sflag:s0] =	ssyncadd.tile.s32 @!p0 $0x1;
	_ =	shalt  }
.Lfunc_end2:
_tile_overlayer_lowered:
.L_overlay_start_2:
0x8b: {  	(tag) =	ssettag $0x2  }
0x8c: {  	s0 =	rddreg [dreg:$0x0];
	s2 =	stileid.u32  }
0x8d: {  	s1 =	rddreg [dreg:$0x1];
	p0 =	sne.s32 s2, $0x0  }
0x8e: {  	s3 =	rddreg [dreg:$0x2];
	[bflag:$0x3] =	sbarrier.arrive $0xFFFF;
	s2 =	simm.s32 @!p0 $0x1C04  }
0x8f: {  	[timem:s3], [sflag:s2] =	dma.local @!p0 [hbm:s0], s1  }
0x90: {  	s0 =	simm.s32 @!p0 $0x4  }
0x91: {  	_ =	swait.ge @!p0 [sflag:s0], s1  }
0x92: {  	s1 =	ssub.s32 @!p0 $0x0, s1;
	[sflag:s0] =	ssyncset.done @!p0 $0x0  }
0x93: {  	[sflag:s0] =	ssyncadd.s32 @!p0 s1  }
0x94: {  	[bflag:$0x3] =	sbarrier.arrive $0xFFFF  }
0x95: {  	_ =	shalt  }

// kernel: kernel.9.cloned.1.call-start
scs
__scs_entry_jumppad:
0x0: {  	(pc) =	sbr.rel $0x88, $3  }
0x1: {  	(tag) =	ssettag $0x0;
	lr =	simm.s32 $0x1  }
0x2: {  	[smem:$0x3F9B] =	sst lr;
	_ =	strace $0xD0000000  }
0x3: {  	_ = 	snop  }
0x4: {  	_ = 	snop  }
0x5: {  	_ = 	snop  }
0x6: {  	_ = 	snop  }
0x7: {  	_ = 	snop  }
__scs_overlays_trampoline_lowered:
0x8: {  	[smem:$0x3FAA] =	sst s0  }
0x9: {  	[smem:$0x3FAB] =	sst s1  }
0xa: {  	[smem:$0x3FAC] =	sst s2  }
0xb: {  	[smem:$0x3FAD] =	sst s3  }
0xc: {  	[smem:$0x3FAE] =	sst s4  }
0xd: {  	[smem:$0x3FAF] =	sst s5  }
0xe: {  	[smem:$0x3FB0] =	sst s6  }
0xf: {  	[smem:$0x3FB1] =	sst s7  }
0x10: {  	[smem:$0x3FB2] =	sst s8  }
0x11: {  	[smem:$0x3FB3] =	sst s9;
	s0 =	simm.s32 @!p0 $0x0  }
0x12: {  	s1 =	sld [smem:$0x3F99];
	s0 =	simm.s32 @p0 $0x1  }
0x13: {  	[smem:$0x3FB4] =	sst s0;
	s0 =	simm.s32 @!p1 $0x0  }
0x14: {  	s2 =	sld [smem:$0x3F98];
	s0 =	simm.s32 @p1 $0x1  }
0x15: {  	[smem:$0x3FB5] =	sst s0;
	s0 =	simm.s32 @!p2 $0x0  }
0x16: {  	s3 =	sld [smem:$0x3FDB];
	s0 =	simm.s32 @p2 $0x1  }
0x17: {  	s4 =	simm.s32 $0x1BF5;
	[smem:$0x3FB7] =	sst s0  }
0x18: {  	s0 =	sld [smem:$0x3F9A];
	_ =	swait.ge [sflag:s4], $0x0  }
0x19: {  	s7 =	sld [smem:$0x3F9B]  }
0x1a: {  	s8 =	sadd.s32 $0xFFFFE003, lr  }
0x1b: {  	s9 =	sadd.s32 $0xFFFFFEF7, lr;
	s5 =	simm.s32 $0xFFFFFFFF;
	p2 =	slt.u32 s8, $0xFFFFF086  }
0x1c: {  	p1 =	slt.u32 s9, $0xF7A;
	s5 =	simm.s32 @!p2 $0x0  }
0x1d: {  	s5 =	simm.s32 @p1 $0x1;
	p0 =	seq.s32 s7, s2  }
0x1e: {  	s7 =	smul.u32 @!p0 $0xF7A, s2;
	p2 =	seq.s32 @!p0 s5, $0x0  }
0x1f: {  	s9 =	smul.u32 $0xF7A, s1;
	s8 =	simm.s32 @!p0 $0x1BF5;
	p2 =	por !p2, p0  }
0x20: {  	[sflag:s8] =	ssyncset.s32 @!p0 $0xFFFFF086;
	s6 =	sadd.s32 @!p0 s3, s7;
	s7 =	simm.s32 @!p0 $0x108  }
0x21: {  	s3 =	sadd.s32 s3, s9;
	s6 =	sadd.s32 @!p0 $0x88, s6;
	s7 =	simm.s32 @p2 $0x1082  }
0x22: {  	[simem:s7], [sflag:s8] =	dma.local @!p0 [hbm:s6], $0xF7A  }
0x23: {  	s9 =	sor.u32 $0xD0000000, s2;
	s6 =	simm.s32 $0x108;
	_ =	swait.ge @!p0 [sflag:s8], $0x0  }
0x24: {  	s3 =	sadd.s32 $0x88, s3;
	s6 =	simm.s32 @!p1 $0x1082;
	[sflag:s4] =	ssyncset.s32 $0xFFFFF086  }
0x25: {  	[simem:s6], [sflag:s4] =	dma.local [hbm:s3], $0xF7A  }
0x26: {  	[smem:$0x3F9B] =	sst s1;
	(tag) =	ssettag s2;
	_ =	strace s9  }
0x27: {  	s1 =	sld [smem:$0x3FAB]  }
0x28: {  	s2 =	sld [smem:$0x3FAC]  }
0x29: {  	s4 =	sld [smem:$0x3FAE]  }
0x2a: {  	p0 =	seq.s32 s5, $0x0;
	s5 =	sld [smem:$0x3FAF]  }
0x2b: {  	s6 =	sld [smem:$0x3FB0]  }
0x2c: {  	s7 =	sld [smem:$0x3FB1]  }
0x2d: {  	s3 =	simm.s32 $0x108;
	s8 =	sld [smem:$0x3FB2]  }
0x2e: {  	s3 =	simm.s32 @!p0 $0x1082;
	s9 =	sld [smem:$0x3FB3]  }
0x2f: {  	lr =	sadd.s32 s0, s3;
	s0 =	sld [smem:$0x3FAA]  }
0x30: {  	s3 =	sld [smem:$0x3FAD]  }
0x31: {  	[smem:$0x3FB6] =	sst s10  }
0x32: {  	s10 =	sld [smem:$0x3FB4];
	_ =	sdelay $0x3  }
0x33: {  	p0 =	seq.s32 s10, $0x1;
	s10 =	sld [smem:$0x3FB6];
	_ =	sdelay $0x3  }
0x34: {  	[smem:$0x3FB6] =	sst s10  }
0x35: {  	s10 =	sld [smem:$0x3FB5];
	_ =	sdelay $0x3  }
0x36: {  	p1 =	seq.s32 s10, $0x1;
	s10 =	sld [smem:$0x3FB6];
	_ =	sdelay $0x3  }
0x37: {  	[smem:$0x3FB6] =	sst s10  }
0x38: {  	s10 =	sld [smem:$0x3FB7]  }
0x39: {  	_ = 	snop;
	(pc) =	sbr.ind lr, $3  }
0x3a: {  	_ = 	snop  }
0x3b: {  	_ = 	snop  }
0x3c: {  	p2 =	seq.s32 s10, $0x1;
	s10 =	sld [smem:$0x3FB6]  }
0x3d: {  	_ =	shalt  }
0x3e: {  	_ =	shalt  }
0x3f: {  	_ =	shalt  }
0x40: {  	_ =	shalt  }
0x41: {  	_ =	shalt  }
0x42: {  	_ =	shalt  }
0x43: {  	_ =	shalt  }
0x44: {  	_ =	shalt  }
0x45: {  	_ =	shalt  }
0x46: {  	_ =	shalt  }
0x47: {  	_ =	shalt  }
0x48: {  	_ =	shalt  }
0x49: {  	_ =	shalt  }
0x4a: {  	_ =	shalt  }
0x4b: {  	_ =	shalt  }
0x4c: {  	_ =	shalt  }
0x4d: {  	_ =	shalt  }
0x4e: {  	_ =	shalt  }
0x4f: {  	_ =	shalt  }
0x50: {  	_ =	shalt  }
0x51: {  	_ =	shalt  }
0x52: {  	_ =	shalt  }
0x53: {  	_ =	shalt  }
0x54: {  	_ =	shalt  }
0x55: {  	_ =	shalt  }
0x56: {  	_ =	shalt  }
0x57: {  	_ =	shalt  }
0x58: {  	_ =	shalt  }
0x59: {  	_ =	shalt  }
0x5a: {  	_ =	shalt  }
0x5b: {  	_ =	shalt  }
0x5c: {  	_ =	shalt  }
0x5d: {  	_ =	shalt  }
0x5e: {  	_ =	shalt  }
0x5f: {  	_ =	shalt  }
0x60: {  	_ =	shalt  }
0x61: {  	_ =	shalt  }
0x62: {  	_ =	shalt  }
0x63: {  	_ =	shalt  }
0x64: {  	_ =	shalt  }
0x65: {  	_ =	shalt  }
0x66: {  	_ =	shalt  }
0x67: {  	_ =	shalt  }
0x68: {  	_ =	shalt  }
0x69: {  	_ =	shalt  }
0x6a: {  	_ =	shalt  }
0x6b: {  	_ =	shalt  }
0x6c: {  	_ =	shalt  }
0x6d: {  	_ =	shalt  }
0x6e: {  	_ =	shalt  }
0x6f: {  	_ =	shalt  }
0x70: {  	_ =	shalt  }
0x71: {  	_ =	shalt  }
0x72: {  	_ =	shalt  }
0x73: {  	_ =	shalt  }
0x74: {  	_ =	shalt  }
0x75: {  	_ =	shalt  }
0x76: {  	_ =	shalt  }
0x77: {  	_ =	shalt  }
0x78: {  	_ =	shalt  }
0x79: {  	_ =	shalt  }
0x7a: {  	_ =	shalt  }
0x7b: {  	_ =	shalt  }
0x7c: {  	_ =	shalt  }
0x7d: {  	_ =	shalt  }
0x7e: {  	_ =	shalt  }
0x7f: {  	_ =	shalt  }
0x80: {  	_ =	shalt  }
0x81: {  	_ =	shalt  }
0x82: {  	_ =	shalt  }
0x83: {  	_ =	shalt  }
0x84: {  	_ =	shalt  }
0x85: {  	_ =	shalt  }
0x86: {  	_ =	shalt  }
0x87: {  	_ =	shalt  }
.Lfunc_end0:
.L_simem_size_0:
called_computation_lowered:
.L_overlay_start_0:
0x88: {  	s2 =	sld [smem:$0x3FD9]  }
0x89: {  	s3 =	sld [smem:$0x3FFE];
	_ =	sdelay $0x1  }
0x8a: {  	s1 =	srdreg.scid  }
0x8b: {  	s0 =	sand.u32 $0x1, s1  }
0x8c: {  	s16 =	sshll.u32 s0, $0xA;
	s2 =	sadd.s32 s3, s2  }
0x8d: {  	s2 =	sadd.s32 s2, s16  }
0x8e: {  	[smem:$0x3FC2] =	sst s2  }
0x8f: {  	_ = 	snop  }
0x90: {  	(tm) =	ssettm $0x1  }
0x91: {  	s17 =	sld [smem:$0x3FFB];
	_ =	sdelay $0x3  }
0x92: {  	_ =	strace s17  }
0x93: {  	s2 =	sld [smem:$0x3FFC];
	_ =	sdelay $0x3  }
0x94: {  	_ =	strace s2  }
0x95: {  	s2 =	sld [smem:$0x3FFD];
	_ =	sdelay $0x3  }
0x96: {  	_ =	strace s2  }
0x97: {  	_ =	strace $0x8FFFFFFF  }
0x98: {  	s18 =	sld [smem:$0x3FDB];
	_ =	sdelay $0x1  }
0x99: {  	s19 =	simm.s32 $_scs_section_size  }
0x9a: {  	s4 =	simm.s32 $_size__tile_overlayer_lowered;
	s5 =	simm.s32 $_tile_overlayer_lowered  }
0x9b: {  	s22 =	simm.s32 $0x1BFF;
	s21 =	sshll.u32 s5, $0x1;
	s2 =	sadd.s32 s19, s18  }
0x9c: {  	s6 =	simm.s32 $0x0;
	s20 =	sshll.u32 s4, $0x1;
	s4 =	sadd.s32 s21, s2  }
0x9d: {  	[timem:s6], [sflag:s22] =	dma.local [hbm:s4], s20  }
0x9e: {  	_ =	swait.ge [sflag:s22], s20  }
0x9f: {  	s3 =	ssub.s32 $0x0, s20;
	[sflag:s22] =	ssyncset.done $0x0  }
0xa0: {  	[sflag:s22] =	ssyncadd.s32 s3;
	_ =	sdelay $0x1  }
0xa1: {  	s23 =	simm.s32 $0x1B8B  }
0xa2: {  	_ =	swait.ge [sflag:s23], $0x1  }
0xa3: {  	[sflag:s23] =	ssyncset.done $0x0  }
0xa4: {  	s25 =	simm.s32 $0x1B8E;
	s24 =	sld [smem:$0x3FFE];
	[sflag:s23] =	ssyncadd.s32 $0xFFFFFFFF  }
0xa5: {  	s26 =	simm.s32 $execute0_lowered;
	[smem:$0x3FD2] =	sst s25  }
0xa6: {  	s4 =	sshll.u32 s26, $0x1;
	_ =	strace $0x80000046;
	[dreg:$0x1] =	wrdreg $0xFFFFFFFF  }
0xa7: {  	s28 =	simm.s32 $_size_execute0_lowered;
	s2 =	sadd.s32 s2, s4;
	[dreg:$0x0] =	wrdreg $0x0  }
0xa8: {  	s4 =	sshll.u32 s28, $0x1;
	[dreg:$0x2] =	wrdreg s2  }
0xa9: {  	[dreg:$0x3] =	wrdreg s4  }
0xaa: {  	[dreg:$0x4] =	wrdreg $0xC0  }
0xab: {  	_ =	task [dreg:s6], $0x5FFFF  }
0xac: {  	[dreg:$0x1] =	wrdreg $0xFFFFFFFF  }
0xad: {  	[dreg:$0x0] =	wrdreg $0x60  }
0xae: {  	[dreg:$0x2] =	wrdreg s24  }
0xaf: {  	[dreg:$0x3] =	wrdreg $0x3D180  }
0xb0: {  	[dreg:$0x4] =	wrdreg $0x9  }
0xb1: {  	_ =	task.clear_ibuf [dreg:s6], $0x5FFFF;
	_ =	strace $0x90000046  }
0xb2: {  	s29 =	simm.s32 $0x9;
	_ =	strace $0x80000048  }
0xb3: {  	_ =	swait.ge [sflag:s29], $0x1  }
0xb4: {  	[sflag:s29] =	ssyncadd.s32 $0xFFFFFFFF  }
0xb5: {  	_ =	strace $0x90000048  }
0xb6: {  	_ =	sfence  }
0xb7: {  	s30 =	sld [smem:$0x0];
	_ =	sdelay $0x2  }
0xb8: {  	s31 =	sshll.u32 s1, $0xD;
	s1 =	sshrl.u32 s1, $0x2  }
0xb9: {  	s3 =	sand.u32 $0x4000, s31;
	s1 =	sadd.s32 s1, s30  }
0xba: {  	s0 =	sor.u32 s3, s0;
	s1 =	sshll.u32 s1, $0x11  }
0xbb: {  	s0 =	sor.u32 s1, s0  }
0xbc: {  	s0 =	sadd.s32 $0x8F2B, s0  }
0xbd: {  	[sflag:s0] =	ssyncadd.remote.s32 $0x1  }
0xbe: {  	_ =	sfence.sel $0xFFFF  }
0xbf: {  	[dreg:$0x0] =	wrdreg $0xFFFFFFFF;
	(pc) =	sbr.abs _section_cstart, $3  }
0xc0: {  	[dreg:$0x1] =	wrdreg $0xFFFFFFFF  }
0xc1: {  	_ =	task.clear_ibuf [dreg:s6], $0x2FFFF;
	_ =	strace $0x9FFFFFFF  }
0xc2: {  	(tm) =	ssettm $0x7FFFFFFF  }
0xc3: {  	_ =	shalt  }
tec
execute0_lowered:
.L_overlay_start_1:
0x0: {  	(tag) =	ssettag $0x1  }
0x1: {  	s1 =	srdreg.scid;
	s4 =	rddreg [dreg:$0x0]  }
0x2: {  	s0 =	stileid.u32;
	s2 =	rddreg [dreg:$0x1];
	s3 =	simm.s32 $0x0  }
0x3: {  	s10 =	simm.s32 $0x28;
	s5 =	sand.u32 $0x1, s1;
	s1 =	rddreg [dreg:$0x2]  }
0x4: {  	s11 =	simm.s32 $0x1388;
	s6 =	smul.u32 $0x2710, s0;
	[smem:$0x7FF] =	sst s3  }
0x5: {  	s12 =	sshll.u32 s0, $0x6;
	s7 =	sshll.u32 s5, $0x4;
	s8 =	smul.u32 $0x27100, s5  }
0x6: {  	_ =	strace $0x80000047;
	s5 =	ssub.s32 $0x2, s5;
	s7 =	sor.u32 s0, s7  }
0x7: {  	s31 =	sshrl.u32 s5, $0x1;
	s7 =	smul.u32 $0x271, s7;
	s8 =	sadd.s32 s6, s8  }
0x8: {  	s12 =	sor.u32 $0x1C01, s12;
	s9 =	ssub.s32 s5, s31;
	s8 =	sshrl.u32 s8, $0x3  }
0x9: {  	s7 =	sadd.s32 s7, s4;
	s8 =	sadd.s32 s8, s4;
	s4 =	sadd.s32 s6, s2  }
0xa: {  	s5 =	sadd.s32 $0x7200, s7;
	s6 =	sadd.s32 $0xC200, s8;
	s7 =	smax.u32 s9, $0x1  }
0xb: {  	v0 =	vimm.f32 $1.000000000e+00;
	v1 =	vimm.f32 $0.0e+00;
	s8 =	simm.s32 $0x1608;
	s9 =	simm.s32 $0x1;
	s13 =	sshrl.u32 s4, $0x3  }
.LBB2_1:
0xc: {  	[tilespmem:$0x1388] =	vst v0  }
0xd: {  	[tilespmem:$0x1398] =	vst v0  }
0xe: {  	[tilespmem:$0x13A8] =	vst v0  }
0xf: {  	[tilespmem:$0x13B8] =	vst v0  }
0x10: {  	[tilespmem:$0x13C8] =	vst v0  }
0x11: {  	[tilespmem:$0x13D8] =	vst v0  }
0x12: {  	[tilespmem:$0x13E8] =	vst v0  }
0x13: {  	[tilespmem:$0x13F8] =	vst v0  }
0x14: {  	[tilespmem:$0x1408] =	vst v0  }
0x15: {  	[tilespmem:$0x1418] =	vst v0  }
0x16: {  	[tilespmem:$0x1428] =	vst v0  }
0x17: {  	[tilespmem:$0x1438] =	vst v0  }
0x18: {  	[tilespmem:$0x1448] =	vst v0  }
0x19: {  	[tilespmem:$0x1458] =	vst v0  }
0x1a: {  	[tilespmem:$0x1468] =	vst v0  }
0x1b: {  	[tilespmem:$0x1478] =	vst v0  }
0x1c: {  	[tilespmem:$0x1488] =	vst v0  }
0x1d: {  	[tilespmem:$0x1498] =	vst v0  }
0x1e: {  	[tilespmem:$0x14A8] =	vst v0  }
0x1f: {  	[tilespmem:$0x14B8] =	vst v0  }
0x20: {  	[tilespmem:$0x14C8] =	vst v0  }
0x21: {  	[tilespmem:$0x14D8] =	vst v0  }
0x22: {  	[tilespmem:$0x14E8] =	vst v0  }
0x23: {  	[tilespmem:$0x14F8] =	vst v0  }
0x24: {  	[tilespmem:$0x1508] =	vst v0  }
0x25: {  	[tilespmem:$0x1518] =	vst v0  }
0x26: {  	[tilespmem:$0x1528] =	vst v0  }
0x27: {  	[tilespmem:$0x1538] =	vst v0  }
0x28: {  	[tilespmem:$0x1548] =	vst v0  }
0x29: {  	[tilespmem:$0x1558] =	vst v0  }
0x2a: {  	[tilespmem:$0x1568] =	vst v0  }
0x2b: {  	[tilespmem:$0x1578] =	vst v0  }
0x2c: {  	[tilespmem:$0x1588] =	vst v0  }
0x2d: {  	[tilespmem:$0x1598] =	vst v0  }
0x2e: {  	[tilespmem:$0x15A8] =	vst v0  }
0x2f: {  	[tilespmem:$0x15B8] =	vst v0  }
0x30: {  	[tilespmem:$0x15C8] =	vst v0  }
0x31: {  	[tilespmem:$0x15D8] =	vst v0  }
0x32: {  	[tilespmem:$0x15E8] =	vst v0  }
0x33: {  	[tilespmem:$0x15F8] =	vst v0;
	s14 =	simm.s32 $0x40;
	s15 =	simm.s32 $0x0  }
.LBB2_2:
0x34: {  	p0 =	sne.s32 s14, $0x9C00;
	[tilespmem:s15+$0x1608] =	vst v1;
	s15 =	smov.u32 s14;
	s14 =	sadd.s32 $0x40, s14  }
.Ltmp0:
0x35: {  	(pc) =	sbr.rel @p0 .LBB2_2-.Ltmp0, $2  }
0x36: {  	_ =	sdelay $0x2  }
0x37: {  	s15 =	sshra.s32 s15, $0x2  }
0x38: {  	[tilespmem:s15+$0x1608] =	vst v1  }
0x39: {  	[spmem:s4] =	stream.linear.scatter [tilespmem:s8], [sflag:$0x1], $0x2710, $0x38;
	[tilespmem:$0x6428] =	vst v63  }
0x3a: {  	_ =	swait.ge [sflag:s9], $0x2710  }
0x3b: {  	[sflag:s9] =	ssyncset.done $0x0  }
0x3c: {  	s14 =	simm.s32 $0x0;
	[sflag:s9] =	ssyncadd.s32 $0xFFFFD8F0  }
0x3d: {  	[tilespmem:s14], [sflag:$0x1] =	stream.linear.gather [hbm4b:s5+s14], $0x1388, $0x38;
	[tilespmem:$0x6428] =	vst v63  }
0x3e: {  	_ =	swait.ge [sflag:s9], $0x1388  }
0x3f: {  	[sflag:s9] =	ssyncset.done $0x0  }
0x40: {  	[sflag:s9] =	ssyncadd.s32 $0xFFFFEC78  }
0x41: {  	s31 =	simm.s32 $0x0;
	[bflag:$0x0] =	sbarrier.arrive $0xFFFF  }
0x42: {  	[spmem:s2] =	stream.indirect.scatter.add.f32 [tilespmem:s11], [sflag:$0x1], $0x10, s31, s10, $0xb8;
	[tilespmem:$0x6428] =	vst v63  }
0x43: {  	_ =	swait.ge [sflag:s9], $0x280  }
0x44: {  	s14 =	simm.s32 $0xA0;
	[sflag:s9] =	ssyncset.done $0x0  }
.LBB2_4:
0x45: {  	s15 =	sshra.s32 s14, $0x2;
	[sflag:s9] =	ssyncadd.s32 $0xFFFFFD80;
	p0 =	sne.s32 s14, $0x4D80  }
0x46: {  	[spmem:s2] =	stream.indirect.scatter.add.f32 [tilespmem:s11], [sflag:$0x1], $0x10, s15, s10, $0xb8;
	[tilespmem:$0x6428] =	vst v63  }
.Ltmp1:
0x47: {  	_ = 	snop;
	(pc) =	sbr.rel @p0 .LBB2_4-.Ltmp1, $4  }
0x48: {  	_ = 	snop  }
0x49: {  	s14 =	sadd.s32 $0xA0, s14  }
0x4a: {  	_ =	swait.ge [sflag:s9], $0x280  }
0x4b: {  	[sflag:s9] =	ssyncset.done $0x0  }
0x4c: {  	s3 =	sadd.s32 $0x1, s3  }
0x4d: {  	[sflag:s9] =	ssyncadd.s32 $0xFFFFFD80;
	p0 =	sne.s32 s3, s7  }
.Ltmp2:
0x4e: {  	[bflag:$0x0] =	sbarrier.arrive $0xFFFF;
	(pc) =	sbr.rel @p0 .LBB2_1-.Ltmp2, $4  }
0x4f: {  	[hbm:s6], [sflag:s12] =	dma.local [spmem:s13], $0x4E2  }
0x50: {  	_ =	swait.ge [sflag:s9], $0x4E2  }
0x51: {  	[sflag:s9] =	ssyncset.done $0x0  }
0x52: {  	[sflag:s9] =	ssyncadd.s32 $0xFFFFFB1E  }
0x53: {  	_ =	sfence.sel $0x180000  }
0x54: {  	[bflag:$0x0] =	sbarrier.arrive $0xFFFF  }
0x55: {  	p0 =	sne.s32 s0, $0x0;
	_ =	strace $0x90000047  }
0x56: {  	s0 =	sadd.s32 @!p0 $0x100000, s1;
	[bflag:$0x2] =	sbarrier.arrive $0xFFFF  }
0x57: {  	[sflag:s0] =	ssyncadd.tile.s32 @!p0 $0x1;
	_ =	shalt  }
.Lfunc_end2:
_tile_overlayer_lowered:
.L_overlay_start_2:
0x58: {  	(tag) =	ssettag $0x2  }
0x59: {  	s0 =	rddreg [dreg:$0x0];
	s2 =	stileid.u32  }
0x5a: {  	s1 =	rddreg [dreg:$0x1];
	p0 =	sne.s32 s2, $0x0  }
0x5b: {  	s3 =	rddreg [dreg:$0x2];
	[bflag:$0x3] =	sbarrier.arrive $0xFFFF;
	s2 =	simm.s32 @!p0 $0x1C01  }
0x5c: {  	[timem:s3], [sflag:s2] =	dma.local @!p0 [hbm:s0], s1  }
0x5d: {  	s0 =	simm.s32 @!p0 $0x1  }
0x5e: {  	_ =	swait.ge @!p0 [sflag:s0], s1  }
0x5f: {  	s1 =	ssub.s32 @!p0 $0x0, s1;
	[sflag:s0] =	ssyncset.done @!p0 $0x0  }
0x60: {  	[sflag:s0] =	ssyncadd.s32 @!p0 s1  }
0x61: {  	[bflag:$0x3] =	sbarrier.arrive $0xFFFF  }
0x62: {  	_ =	shalt  }

</sc_bundles>
